<compile_context>
chip_gen: v7x
topology: tpu7x:2x2x1
jax: 0.10.2.dev20260603
libtpu: 0.0.44.dev20260713+nightly
codegen_flags: <defaults>
</compile_context>

<pallas_src>
import functools

import jax
import jax.numpy as jnp
from jax import lax
from jax.experimental import pallas as pl
from jax.experimental.pallas import tpu as pltpu
from jax.experimental.pallas import tpu_sc as plsc

V = 30523
NQ = 900
BQ = 64
GRID1 = 15
NROWS = BQ * GRID1
NPAD = 1024
K = 100
KPAD = 112
NOUT = 128
DUMP = 127
NJV = 57

NC = 2
NS = 16
NTILES = NC * NS
IPT = NPAD // NTILES


def _stage1_body(scale_ref, logits_ref, boxes_ref,
                 scores_ref, payload_ref):
    x = logits_ref[...]
    xnl = x[:, :V - 1]
    m_nl = jnp.max(xnl, axis=-1, keepdims=True)
    amax = jnp.argmax(xnl, axis=-1)[:, None]
    l_last = x[:, V - 1:V]
    m_all = jnp.maximum(m_nl, l_last)
    z = jnp.sum(jnp.exp(x - m_all), axis=-1, keepdims=True)
    row = pl.program_id(0) * BQ + lax.broadcasted_iota(jnp.int32, (BQ, 1), 0)
    valid = row < NQ
    scores_ref[...] = jnp.where(valid, jnp.exp(m_nl - m_all) / z, -1.0)
    b = boxes_ref[...]
    cx, cy, w, h = b[:, 0:1], b[:, 1:2], b[:, 2:3], b[:, 3:4]
    xyxy = jnp.concatenate(
        [cx - 0.5 * w, cy - 0.5 * h, cx + 0.5 * w, cy + 0.5 * h], axis=-1)
    out_score = 1.0 - jnp.exp(l_last - m_all) / z
    pad = jnp.zeros((BQ, 122), jnp.float32)
    payload = jnp.concatenate(
        [out_score, xyxy * scale_ref[...], amax.astype(jnp.float32), pad],
        axis=-1)
    payload_ref[...] = jnp.where(valid, payload, 0.0)


def _stage1(logits3d, boxes3d, scale):
    return pl.pallas_call(
        _stage1_body,
        grid=(GRID1,),
        in_specs=[
            pl.BlockSpec((1, 4), lambda i: (0, 0)),
            pl.BlockSpec((None, BQ, V), lambda i: (0, i, 0)),
            pl.BlockSpec((None, BQ, 4), lambda i: (0, i, 0)),
        ],
        out_specs=[
            pl.BlockSpec((BQ, 1), lambda i: (i, 0)),
            pl.BlockSpec((BQ, 128), lambda i: (i, 0)),
        ],
        out_shape=[
            jax.ShapeDtypeStruct((NPAD, 1), jnp.float32),
            jax.ShapeDtypeStruct((NPAD, 128), jnp.float32),
        ],
    )(scale, logits3d, boxes3d)


def _stage2_body(scores_hbm, payload_hbm, proj_hbm,
                 misc_hbm, proj_out_hbm,
                 sc_v, idx_v, tgt_v, pay_v, pr_v, sem):
    wid = lax.axis_index("s") * NC + lax.axis_index("c")
    i_base = wid * IPT

    pltpu.sync_copy(scores_hbm, sc_v)

    iota16 = lax.broadcasted_iota(jnp.int32, (16,), 0)
    one = jnp.full((16,), 1, jnp.int32)
    zero = jnp.zeros((16,), jnp.int32)

    for k in range(IPT // 16):
        lo = i_base + 16 * k
        vi = sc_v[pl.ds(lo, 16)]

        def count_body(strict, vi=vi):
            def body(t, cnt):
                c = cnt
                vj = sc_v[pl.ds(16 * t, 16)]
                for u in range(16):
                    sj = jnp.full((16,), vj[u])
                    hit = (sj > vi) if strict else (sj >= vi)
                    c = c + jnp.where(hit, one, zero)
                return c
            return body

        t_mid = wid * (IPT // 16) + k
        cnt = lax.fori_loop(0, t_mid, count_body(False),
                            jnp.zeros((16,), jnp.int32))
        vj = sc_v[pl.ds(lo, 16)]
        for u in range(16):
            sj = jnp.full((16,), vj[u])
            hit = (sj > vi) | ((sj == vi) & (iota16 > u))
            cnt = cnt + jnp.where(hit, one, zero)
        cnt = lax.fori_loop(t_mid + 1, NJV, count_body(True), cnt)

        ivec = iota16 + lo
        sel = (cnt < KPAD) & (ivec < NQ)
        tgt = jnp.where(sel, cnt, DUMP)
        gidx = jnp.where(sel, ivec, 0)
        idx_v[pl.ds(16 * k, 16)] = gidx
        tgt_v[pl.ds(16 * k, 16)] = tgt

    pltpu.async_copy(payload_hbm.at[idx_v], pay_v, sem).wait()
    pltpu.async_copy(pay_v, misc_hbm.at[tgt_v], sem).wait()
    pltpu.async_copy(proj_hbm.at[idx_v], pr_v, sem).wait()
    pltpu.async_copy(pr_v, proj_out_hbm.at[tgt_v], sem).wait()


@functools.partial(
    pl.kernel,
    out_type=[
        jax.ShapeDtypeStruct((NOUT, 128), jnp.float32),
        jax.ShapeDtypeStruct((NOUT, 256), jnp.float32),
    ],
    mesh=plsc.VectorSubcoreMesh(core_axis_name="c", subcore_axis_name="s"),
    scratch_types=[
        pltpu.VMEM((NPAD,), jnp.float32),
        pltpu.VMEM((IPT,), jnp.int32),
        pltpu.VMEM((IPT,), jnp.int32),
        pltpu.VMEM((IPT, 128), jnp.float32),
        pltpu.VMEM((IPT, 256), jnp.float32),
        pltpu.SemaphoreType.DMA,
    ],
)
def _stage2(scores_hbm, payload_hbm, proj_hbm,
            misc_hbm, proj_out_hbm, *scratch):
    _stage2_body(scores_hbm, payload_hbm, proj_hbm,
                 misc_hbm, proj_out_hbm, *scratch)


def kernel(pred_logits, pred_boxes, proj_queries, target_sizes):
    img_h = target_sizes[:, 0].astype(jnp.float32)
    img_w = target_sizes[:, 1].astype(jnp.float32)
    scale = jnp.stack([img_w, img_h, img_w, img_h], axis=1)

    scores_p, payload_p = _stage1(pred_logits, pred_boxes, scale)

    misc, proj_sel = _stage2(scores_p.reshape(NPAD), payload_p,
                             proj_queries[0])

    scores = misc[None, :K, 0]
    labels = jnp.zeros((1, K), jnp.float32)
    boxes = misc[None, :K, 1:5]
    word_labels = misc[:K, 5].astype(jnp.int32)[None]
    proj_q = proj_sel[None, :K]
    return (scores, labels, boxes, word_labels, proj_q)

# --- scband reference (transcript-rebuilt; emitter-appended) ---
"""Pipeline reference for scband-post-process-tgod-3599182594699 (READ-ONLY COPY).

The authoritative reference and input builder live on the scoring server;
editing this copy changes nothing except your own understanding.
"""

import jax, jax.numpy as jnp
import numpy as np


def setup_inputs(seed: int = 0) -> dict:
    key = jax.random.key(seed)
    k1, k2, k3, k4 = jax.random.split(key, 4)
    pred_logits = jax.random.normal(k1, (1, 900, 30523), dtype=jnp.float32)
    pred_boxes = jax.random.uniform(k2, (1, 900, 4), dtype=jnp.float32)
    proj_queries = jax.random.normal(k3, (1, 900, 256), dtype=jnp.float32)
    target_sizes = jax.random.randint(k4, (1, 2), 1, 1333).astype(jnp.int64)
    return {"pred_logits": pred_logits, "pred_boxes": pred_boxes, "proj_queries": proj_queries, "target_sizes": target_sizes}


def box_cxcywh_to_xyxy(b):
    cx = b[..., 0:1]; cy = b[..., 1:2]; w = b[..., 2:3]; h = b[..., 3:4]
    return jnp.concatenate([cx - 0.5 * w, cy - 0.5 * h, cx + 0.5 * w, cy + 0.5 * h], axis=-1)


def reference(pred_logits, pred_boxes, proj_queries, target_sizes):
    prob = jax.nn.softmax(pred_logits, axis=-1)
    scores_all = jnp.max(prob[..., :-1], axis=-1)            # [B, Q]
    word_labels = jnp.argmax(prob[..., :-1], axis=-1)        # [B, Q]
    topk_scores, topk_idx = jax.lax.top_k(scores_all, 100)   # [B, 100]
    topk_idx = jnp.squeeze(topk_idx)                          # [100] (B==1)
    word_labels = word_labels[:, topk_idx]                   # [B, 100]
    proj_q = proj_queries[:, topk_idx]                       # [B, 100, d]
    labels = jnp.zeros_like(topk_scores)                     # [B, 100]
    scores = 1.0 - prob[:, :, -1][:, topk_idx]               # [B, 100]
    boxes = box_cxcywh_to_xyxy(pred_boxes)                   # [B, Q, 4]
    img_h = target_sizes[:, 0]
    img_w = target_sizes[:, 1]
    scale_fct = jnp.stack([img_w, img_h, img_w, img_h], axis=1).astype(jnp.float32)
    boxes = boxes * scale_fct[:, None, :]
    boxes = boxes[:, topk_idx]                               # [B, 100, 4]
    return (scores, labels, boxes, word_labels, proj_q)

if __name__ == "__main__":
    import jax
    _d = setup_inputs()
    print(jax.jit(kernel)(*tuple(_d.values())))

</pallas_src>

<mosaic_0001>
#map = affine_map<(d0, d1) -> (0)>
#map1 = affine_map<(d0, d1) -> (0, 0)>
module attributes {stable_mosaic.version = 14 : i64} {
  func.func @_stage2(%arg0: i32, %arg1: i32, %arg2: memref<1024xf32, #tpu.memory_space<hbm>>, %arg3: memref<1024x128xf32, #tpu.memory_space<hbm>>, %arg4: memref<900x256xf32, #tpu.memory_space<hbm>>, %arg5: memref<128x128xf32, #tpu.memory_space<hbm>>, %arg6: memref<128x256xf32, #tpu.memory_space<hbm>>, %arg7: memref<1024xf32, #tpu.memory_space<vmem>>, %arg8: memref<32xi32, #tpu.memory_space<vmem>>, %arg9: memref<32xi32, #tpu.memory_space<vmem>>, %arg10: memref<32x128xf32, #tpu.memory_space<vmem>>, %arg11: memref<32x256xf32, #tpu.memory_space<vmem>>, %arg12: memref<!tpu.dma_semaphore, #tpu.memory_space<semaphore_mem>>) attributes {dimension_semantics = [#tpu.dimension_semantics<core_parallel>, #tpu.dimension_semantics<subcore_parallel>], iteration_bounds = array<i64: 2, 16>, scalar_prefetch = 0 : i64, scratch_operands = 6 : i64, tpu.core_type = #tpu.core_type<sc_vector_subcore>, window_params = [{transform_indices = #map}, {transform_indices = #map1}, {transform_indices = #map1}, {transform_indices = #map1}, {transform_indices = #map1}]} {
    %mul3A = arith.constant 2 : i32
    %mul3A_0 = arith.muli %arg1, %mul3A : i32
    %add3A = arith.addi %mul3A_0, %arg0 : i32
    %mul3A_1 = arith.constant 32 : i32
    %mul3A_2 = arith.muli %add3A, %mul3A_1 : i32
    "tpu.region"() ({
      %run_scoped3A = tpu.sem_alloc : memref<!tpu.dma_semaphore, #tpu.memory_space<semaphore_mem>>
      tpu.enqueue_dma source(%arg2 : memref<1024xf32, #tpu.memory_space<hbm>>) target(%arg7 : memref<1024xf32, #tpu.memory_space<vmem>>) target_semaphore(%run_scoped3A : memref<!tpu.dma_semaphore, #tpu.memory_space<semaphore_mem>>)
      tpu.wait_dma2 semaphore(%run_scoped3A : memref<!tpu.dma_semaphore, #tpu.memory_space<semaphore_mem>>) src(%arg2 : memref<1024xf32, #tpu.memory_space<hbm>>) dst(%arg7 : memref<1024xf32, #tpu.memory_space<vmem>>)
      tpu.yield
    }) : () -> ()
    %iota3A = tpu.iota {dimensions = array<i32: 0>} : vector<16xi32>
    %broadcast_in_dim3A = arith.constant 1 : i32
    %broadcast_in_dim3A_3 = vector.broadcast %broadcast_in_dim3A : i32 to vector<16xi32>
    %broadcast_in_dim3A_4 = arith.constant 0 : i32
    %broadcast_in_dim3A_5 = vector.broadcast %broadcast_in_dim3A_4 : i32 to vector<16xi32>
    %add3A_6 = arith.constant 0 : i32
    %add3A_7 = arith.addi %mul3A_2, %add3A_6 : i32
    %get3A = arith.index_cast %add3A_7 : i32 to index
    %get3A_8 = tpu.vector_load %arg7[%get3A] {strides = array<i32>} : memref<1024xf32, #tpu.memory_space<vmem>>, vector<16xf32>,
    %get3A_9 = vector.shape_cast %get3A_8 : vector<16xf32> to vector<16xf32>
    %mul3A_10 = arith.constant 2 : i32
    %mul3A_11 = arith.muli %add3A, %mul3A_10 : i32
    %add3A_12 = arith.constant 0 : i32
    %add3A_13 = arith.addi %mul3A_11, %add3A_12 : i32
    %broadcast_in_dim3A_14 = arith.constant 0 : i32
    %broadcast_in_dim3A_15 = vector.broadcast %broadcast_in_dim3A_14 : i32 to vector<16xi32>
    %while3A = arith.constant 0 : i32
    %while3A_16 = arith.subi %add3A_13, %while3A : i32
    %while3A_17 = arith.addi %while3A, %while3A_16 : i32
    %while3A_18 = arith.constant 1 : i32
    %while3A_19 = arith.divsi %while3A_16, %while3A_18 : i32
    %while3A_20 = arith.muli %while3A_19, %while3A_18 : i32
    %while3A_21 = arith.addi %while3A, %while3A_20 : i32
    %while3A_22 = arith.constant 1 : i32
    %while3A_23 = scf.for %while3A_522 = %while3A to %while3A_21 step %while3A_22 iter_args(%while3A_523 = %broadcast_in_dim3A_15) -> (vector<16xi32>)  : i32 {
      %mul3A_524 = arith.constant 16 : i32
      %mul3A_525 = arith.muli %mul3A_524, %while3A_522 : i32
      %get3A_526 = arith.index_cast %mul3A_525 : i32 to index
      %get3A_527 = tpu.vector_load %arg7[%get3A_526] {strides = array<i32>} : memref<1024xf32, #tpu.memory_space<vmem>>, vector<16xf32>,
      %get3A_528 = vector.shape_cast %get3A_527 : vector<16xf32> to vector<16xf32>
      %slice3A_529 = vector.extract_strided_slice %get3A_528 {offsets = [0], sizes = [1], strides = [1]} : vector<16xf32> to vector<1xf32>
      %squeeze3A_530 = vector.extract %slice3A_529[0] : f32 from vector<1xf32>
      %broadcast_in_dim3A_531 = vector.broadcast %squeeze3A_530 : f32 to vector<16xf32>
      %ge3A = arith.cmpf oge, %broadcast_in_dim3A_531, %get3A_9 : vector<16xf32>
      %select_n3A_532 = arith.select %ge3A, %broadcast_in_dim3A_3, %broadcast_in_dim3A_5 : vector<16xi1>, vector<16xi32>
      %add3A_533 = arith.addi %while3A_523, %select_n3A_532 : vector<16xi32>
      %slice3A_534 = vector.extract_strided_slice %get3A_528 {offsets = [1], sizes = [1], strides = [1]} : vector<16xf32> to vector<1xf32>
      %squeeze3A_535 = vector.extract %slice3A_534[0] : f32 from vector<1xf32>
      %broadcast_in_dim3A_536 = vector.broadcast %squeeze3A_535 : f32 to vector<16xf32>
      %ge3A_537 = arith.cmpf oge, %broadcast_in_dim3A_536, %get3A_9 : vector<16xf32>
      %select_n3A_538 = arith.select %ge3A_537, %broadcast_in_dim3A_3, %broadcast_in_dim3A_5 : vector<16xi1>, vector<16xi32>
      %add3A_539 = arith.addi %add3A_533, %select_n3A_538 : vector<16xi32>
      %slice3A_540 = vector.extract_strided_slice %get3A_528 {offsets = [2], sizes = [1], strides = [1]} : vector<16xf32> to vector<1xf32>
      %squeeze3A_541 = vector.extract %slice3A_540[0] : f32 from vector<1xf32>
      %broadcast_in_dim3A_542 = vector.broadcast %squeeze3A_541 : f32 to vector<16xf32>
      %ge3A_543 = arith.cmpf oge, %broadcast_in_dim3A_542, %get3A_9 : vector<16xf32>
      %select_n3A_544 = arith.select %ge3A_543, %broadcast_in_dim3A_3, %broadcast_in_dim3A_5 : vector<16xi1>, vector<16xi32>
      %add3A_545 = arith.addi %add3A_539, %select_n3A_544 : vector<16xi32>
      %slice3A_546 = vector.extract_strided_slice %get3A_528 {offsets = [3], sizes = [1], strides = [1]} : vector<16xf32> to vector<1xf32>
      %squeeze3A_547 = vector.extract %slice3A_546[0] : f32 from vector<1xf32>
      %broadcast_in_dim3A_548 = vector.broadcast %squeeze3A_547 : f32 to vector<16xf32>
      %ge3A_549 = arith.cmpf oge, %broadcast_in_dim3A_548, %get3A_9 : vector<16xf32>
      %select_n3A_550 = arith.select %ge3A_549, %broadcast_in_dim3A_3, %broadcast_in_dim3A_5 : vector<16xi1>, vector<16xi32>
      %add3A_551 = arith.addi %add3A_545, %select_n3A_550 : vector<16xi32>
      %slice3A_552 = vector.extract_strided_slice %get3A_528 {offsets = [4], sizes = [1], strides = [1]} : vector<16xf32> to vector<1xf32>
      %squeeze3A_553 = vector.extract %slice3A_552[0] : f32 from vector<1xf32>
      %broadcast_in_dim3A_554 = vector.broadcast %squeeze3A_553 : f32 to vector<16xf32>
      %ge3A_555 = arith.cmpf oge, %broadcast_in_dim3A_554, %get3A_9 : vector<16xf32>
      %select_n3A_556 = arith.select %ge3A_555, %broadcast_in_dim3A_3, %broadcast_in_dim3A_5 : vector<16xi1>, vector<16xi32>
      %add3A_557 = arith.addi %add3A_551, %select_n3A_556 : vector<16xi32>
      %slice3A_558 = vector.extract_strided_slice %get3A_528 {offsets = [5], sizes = [1], strides = [1]} : vector<16xf32> to vector<1xf32>
      %squeeze3A_559 = vector.extract %slice3A_558[0] : f32 from vector<1xf32>
      %broadcast_in_dim3A_560 = vector.broadcast %squeeze3A_559 : f32 to vector<16xf32>
      %ge3A_561 = arith.cmpf oge, %broadcast_in_dim3A_560, %get3A_9 : vector<16xf32>
      %select_n3A_562 = arith.select %ge3A_561, %broadcast_in_dim3A_3, %broadcast_in_dim3A_5 : vector<16xi1>, vector<16xi32>
      %add3A_563 = arith.addi %add3A_557, %select_n3A_562 : vector<16xi32>
      %slice3A_564 = vector.extract_strided_slice %get3A_528 {offsets = [6], sizes = [1], strides = [1]} : vector<16xf32> to vector<1xf32>
      %squeeze3A_565 = vector.extract %slice3A_564[0] : f32 from vector<1xf32>
      %broadcast_in_dim3A_566 = vector.broadcast %squeeze3A_565 : f32 to vector<16xf32>
      %ge3A_567 = arith.cmpf oge, %broadcast_in_dim3A_566, %get3A_9 : vector<16xf32>
      %select_n3A_568 = arith.select %ge3A_567, %broadcast_in_dim3A_3, %broadcast_in_dim3A_5 : vector<16xi1>, vector<16xi32>
      %add3A_569 = arith.addi %add3A_563, %select_n3A_568 : vector<16xi32>
      %slice3A_570 = vector.extract_strided_slice %get3A_528 {offsets = [7], sizes = [1], strides = [1]} : vector<16xf32> to vector<1xf32>
      %squeeze3A_571 = vector.extract %slice3A_570[0] : f32 from vector<1xf32>
      %broadcast_in_dim3A_572 = vector.broadcast %squeeze3A_571 : f32 to vector<16xf32>
      %ge3A_573 = arith.cmpf oge, %broadcast_in_dim3A_572, %get3A_9 : vector<16xf32>
      %select_n3A_574 = arith.select %ge3A_573, %broadcast_in_dim3A_3, %broadcast_in_dim3A_5 : vector<16xi1>, vector<16xi32>
      %add3A_575 = arith.addi %add3A_569, %select_n3A_574 : vector<16xi32>
      %slice3A_576 = vector.extract_strided_slice %get3A_528 {offsets = [8], sizes = [1], strides = [1]} : vector<16xf32> to vector<1xf32>
      %squeeze3A_577 = vector.extract %slice3A_576[0] : f32 from vector<1xf32>
      %broadcast_in_dim3A_578 = vector.broadcast %squeeze3A_577 : f32 to vector<16xf32>
      %ge3A_579 = arith.cmpf oge, %broadcast_in_dim3A_578, %get3A_9 : vector<16xf32>
      %select_n3A_580 = arith.select %ge3A_579, %broadcast_in_dim3A_3, %broadcast_in_dim3A_5 : vector<16xi1>, vector<16xi32>
      %add3A_581 = arith.addi %add3A_575, %select_n3A_580 : vector<16xi32>
      %slice3A_582 = vector.extract_strided_slice %get3A_528 {offsets = [9], sizes = [1], strides = [1]} : vector<16xf32> to vector<1xf32>
      %squeeze3A_583 = vector.extract %slice3A_582[0] : f32 from vector<1xf32>
      %broadcast_in_dim3A_584 = vector.broadcast %squeeze3A_583 : f32 to vector<16xf32>
      %ge3A_585 = arith.cmpf oge, %broadcast_in_dim3A_584, %get3A_9 : vector<16xf32>
      %select_n3A_586 = arith.select %ge3A_585, %broadcast_in_dim3A_3, %broadcast_in_dim3A_5 : vector<16xi1>, vector<16xi32>
      %add3A_587 = arith.addi %add3A_581, %select_n3A_586 : vector<16xi32>
      %slice3A_588 = vector.extract_strided_slice %get3A_528 {offsets = [10], sizes = [1], strides = [1]} : vector<16xf32> to vector<1xf32>
      %squeeze3A_589 = vector.extract %slice3A_588[0] : f32 from vector<1xf32>
      %broadcast_in_dim3A_590 = vector.broadcast %squeeze3A_589 : f32 to vector<16xf32>
      %ge3A_591 = arith.cmpf oge, %broadcast_in_dim3A_590, %get3A_9 : vector<16xf32>
      %select_n3A_592 = arith.select %ge3A_591, %broadcast_in_dim3A_3, %broadcast_in_dim3A_5 : vector<16xi1>, vector<16xi32>
      %add3A_593 = arith.addi %add3A_587, %select_n3A_592 : vector<16xi32>
      %slice3A_594 = vector.extract_strided_slice %get3A_528 {offsets = [11], sizes = [1], strides = [1]} : vector<16xf32> to vector<1xf32>
      %squeeze3A_595 = vector.extract %slice3A_594[0] : f32 from vector<1xf32>
      %broadcast_in_dim3A_596 = vector.broadcast %squeeze3A_595 : f32 to vector<16xf32>
      %ge3A_597 = arith.cmpf oge, %broadcast_in_dim3A_596, %get3A_9 : vector<16xf32>
      %select_n3A_598 = arith.select %ge3A_597, %broadcast_in_dim3A_3, %broadcast_in_dim3A_5 : vector<16xi1>, vector<16xi32>
      %add3A_599 = arith.addi %add3A_593, %select_n3A_598 : vector<16xi32>
      %slice3A_600 = vector.extract_strided_slice %get3A_528 {offsets = [12], sizes = [1], strides = [1]} : vector<16xf32> to vector<1xf32>
      %squeeze3A_601 = vector.extract %slice3A_600[0] : f32 from vector<1xf32>
      %broadcast_in_dim3A_602 = vector.broadcast %squeeze3A_601 : f32 to vector<16xf32>
      %ge3A_603 = arith.cmpf oge, %broadcast_in_dim3A_602, %get3A_9 : vector<16xf32>
      %select_n3A_604 = arith.select %ge3A_603, %broadcast_in_dim3A_3, %broadcast_in_dim3A_5 : vector<16xi1>, vector<16xi32>
      %add3A_605 = arith.addi %add3A_599, %select_n3A_604 : vector<16xi32>
      %slice3A_606 = vector.extract_strided_slice %get3A_528 {offsets = [13], sizes = [1], strides = [1]} : vector<16xf32> to vector<1xf32>
      %squeeze3A_607 = vector.extract %slice3A_606[0] : f32 from vector<1xf32>
      %broadcast_in_dim3A_608 = vector.broadcast %squeeze3A_607 : f32 to vector<16xf32>
      %ge3A_609 = arith.cmpf oge, %broadcast_in_dim3A_608, %get3A_9 : vector<16xf32>
      %select_n3A_610 = arith.select %ge3A_609, %broadcast_in_dim3A_3, %broadcast_in_dim3A_5 : vector<16xi1>, vector<16xi32>
      %add3A_611 = arith.addi %add3A_605, %select_n3A_610 : vector<16xi32>
      %slice3A_612 = vector.extract_strided_slice %get3A_528 {offsets = [14], sizes = [1], strides = [1]} : vector<16xf32> to vector<1xf32>
      %squeeze3A_613 = vector.extract %slice3A_612[0] : f32 from vector<1xf32>
      %broadcast_in_dim3A_614 = vector.broadcast %squeeze3A_613 : f32 to vector<16xf32>
      %ge3A_615 = arith.cmpf oge, %broadcast_in_dim3A_614, %get3A_9 : vector<16xf32>
      %select_n3A_616 = arith.select %ge3A_615, %broadcast_in_dim3A_3, %broadcast_in_dim3A_5 : vector<16xi1>, vector<16xi32>
      %add3A_617 = arith.addi %add3A_611, %select_n3A_616 : vector<16xi32>
      %slice3A_618 = vector.extract_strided_slice %get3A_528 {offsets = [15], sizes = [1], strides = [1]} : vector<16xf32> to vector<1xf32>
      %squeeze3A_619 = vector.extract %slice3A_618[0] : f32 from vector<1xf32>
      %broadcast_in_dim3A_620 = vector.broadcast %squeeze3A_619 : f32 to vector<16xf32>
      %ge3A_621 = arith.cmpf oge, %broadcast_in_dim3A_620, %get3A_9 : vector<16xf32>
      %select_n3A_622 = arith.select %ge3A_621, %broadcast_in_dim3A_3, %broadcast_in_dim3A_5 : vector<16xi1>, vector<16xi32>
      %add3A_623 = arith.addi %add3A_617, %select_n3A_622 : vector<16xi32>
      scf.yield %add3A_623 : vector<16xi32>
    }
    %while3A_24 = arith.constant 1 : i32
    %while3A_25 = scf.for %while3A_522 = %while3A_21 to %while3A_17 step %while3A_24 iter_args(%while3A_523 = %while3A_23) -> (vector<16xi32>)  : i32 {
      %mul3A_524 = arith.constant 16 : i32
      %mul3A_525 = arith.muli %mul3A_524, %while3A_522 : i32
      %get3A_526 = arith.index_cast %mul3A_525 : i32 to index
      %get3A_527 = tpu.vector_load %arg7[%get3A_526] {strides = array<i32>} : memref<1024xf32, #tpu.memory_space<vmem>>, vector<16xf32>,
      %get3A_528 = vector.shape_cast %get3A_527 : vector<16xf32> to vector<16xf32>
      %slice3A_529 = vector.extract_strided_slice %get3A_528 {offsets = [0], sizes = [1], strides = [1]} : vector<16xf32> to vector<1xf32>
      %squeeze3A_530 = vector.extract %slice3A_529[0] : f32 from vector<1xf32>
      %broadcast_in_dim3A_531 = vector.broadcast %squeeze3A_530 : f32 to vector<16xf32>
      %ge3A = arith.cmpf oge, %broadcast_in_dim3A_531, %get3A_9 : vector<16xf32>
      %select_n3A_532 = arith.select %ge3A, %broadcast_in_dim3A_3, %broadcast_in_dim3A_5 : vector<16xi1>, vector<16xi32>
      %add3A_533 = arith.addi %while3A_523, %select_n3A_532 : vector<16xi32>
      %slice3A_534 = vector.extract_strided_slice %get3A_528 {offsets = [1], sizes = [1], strides = [1]} : vector<16xf32> to vector<1xf32>
      %squeeze3A_535 = vector.extract %slice3A_534[0] : f32 from vector<1xf32>
      %broadcast_in_dim3A_536 = vector.broadcast %squeeze3A_535 : f32 to vector<16xf32>
      %ge3A_537 = arith.cmpf oge, %broadcast_in_dim3A_536, %get3A_9 : vector<16xf32>
      %select_n3A_538 = arith.select %ge3A_537, %broadcast_in_dim3A_3, %broadcast_in_dim3A_5 : vector<16xi1>, vector<16xi32>
      %add3A_539 = arith.addi %add3A_533, %select_n3A_538 : vector<16xi32>
      %slice3A_540 = vector.extract_strided_slice %get3A_528 {offsets = [2], sizes = [1], strides = [1]} : vector<16xf32> to vector<1xf32>
      %squeeze3A_541 = vector.extract %slice3A_540[0] : f32 from vector<1xf32>
      %broadcast_in_dim3A_542 = vector.broadcast %squeeze3A_541 : f32 to vector<16xf32>
      %ge3A_543 = arith.cmpf oge, %broadcast_in_dim3A_542, %get3A_9 : vector<16xf32>
      %select_n3A_544 = arith.select %ge3A_543, %broadcast_in_dim3A_3, %broadcast_in_dim3A_5 : vector<16xi1>, vector<16xi32>
      %add3A_545 = arith.addi %add3A_539, %select_n3A_544 : vector<16xi32>
      %slice3A_546 = vector.extract_strided_slice %get3A_528 {offsets = [3], sizes = [1], strides = [1]} : vector<16xf32> to vector<1xf32>
      %squeeze3A_547 = vector.extract %slice3A_546[0] : f32 from vector<1xf32>
      %broadcast_in_dim3A_548 = vector.broadcast %squeeze3A_547 : f32 to vector<16xf32>
      %ge3A_549 = arith.cmpf oge, %broadcast_in_dim3A_548, %get3A_9 : vector<16xf32>
      %select_n3A_550 = arith.select %ge3A_549, %broadcast_in_dim3A_3, %broadcast_in_dim3A_5 : vector<16xi1>, vector<16xi32>
      %add3A_551 = arith.addi %add3A_545, %select_n3A_550 : vector<16xi32>
      %slice3A_552 = vector.extract_strided_slice %get3A_528 {offsets = [4], sizes = [1], strides = [1]} : vector<16xf32> to vector<1xf32>
      %squeeze3A_553 = vector.extract %slice3A_552[0] : f32 from vector<1xf32>
      %broadcast_in_dim3A_554 = vector.broadcast %squeeze3A_553 : f32 to vector<16xf32>
      %ge3A_555 = arith.cmpf oge, %broadcast_in_dim3A_554, %get3A_9 : vector<16xf32>
      %select_n3A_556 = arith.select %ge3A_555, %broadcast_in_dim3A_3, %broadcast_in_dim3A_5 : vector<16xi1>, vector<16xi32>
      %add3A_557 = arith.addi %add3A_551, %select_n3A_556 : vector<16xi32>
      %slice3A_558 = vector.extract_strided_slice %get3A_528 {offsets = [5], sizes = [1], strides = [1]} : vector<16xf32> to vector<1xf32>
      %squeeze3A_559 = vector.extract %slice3A_558[0] : f32 from vector<1xf32>
      %broadcast_in_dim3A_560 = vector.broadcast %squeeze3A_559 : f32 to vector<16xf32>
      %ge3A_561 = arith.cmpf oge, %broadcast_in_dim3A_560, %get3A_9 : vector<16xf32>
      %select_n3A_562 = arith.select %ge3A_561, %broadcast_in_dim3A_3, %broadcast_in_dim3A_5 : vector<16xi1>, vector<16xi32>
      %add3A_563 = arith.addi %add3A_557, %select_n3A_562 : vector<16xi32>
      %slice3A_564 = vector.extract_strided_slice %get3A_528 {offsets = [6], sizes = [1], strides = [1]} : vector<16xf32> to vector<1xf32>
      %squeeze3A_565 = vector.extract %slice3A_564[0] : f32 from vector<1xf32>
      %broadcast_in_dim3A_566 = vector.broadcast %squeeze3A_565 : f32 to vector<16xf32>
      %ge3A_567 = arith.cmpf oge, %broadcast_in_dim3A_566, %get3A_9 : vector<16xf32>
      %select_n3A_568 = arith.select %ge3A_567, %broadcast_in_dim3A_3, %broadcast_in_dim3A_5 : vector<16xi1>, vector<16xi32>
      %add3A_569 = arith.addi %add3A_563, %select_n3A_568 : vector<16xi32>
      %slice3A_570 = vector.extract_strided_slice %get3A_528 {offsets = [7], sizes = [1], strides = [1]} : vector<16xf32> to vector<1xf32>
      %squeeze3A_571 = vector.extract %slice3A_570[0] : f32 from vector<1xf32>
      %broadcast_in_dim3A_572 = vector.broadcast %squeeze3A_571 : f32 to vector<16xf32>
      %ge3A_573 = arith.cmpf oge, %broadcast_in_dim3A_572, %get3A_9 : vector<16xf32>
      %select_n3A_574 = arith.select %ge3A_573, %broadcast_in_dim3A_3, %broadcast_in_dim3A_5 : vector<16xi1>, vector<16xi32>
      %add3A_575 = arith.addi %add3A_569, %select_n3A_574 : vector<16xi32>
      %slice3A_576 = vector.extract_strided_slice %get3A_528 {offsets = [8], sizes = [1], strides = [1]} : vector<16xf32> to vector<1xf32>
      %squeeze3A_577 = vector.extract %slice3A_576[0] : f32 from vector<1xf32>
      %broadcast_in_dim3A_578 = vector.broadcast %squeeze3A_577 : f32 to vector<16xf32>
      %ge3A_579 = arith.cmpf oge, %broadcast_in_dim3A_578, %get3A_9 : vector<16xf32>
      %select_n3A_580 = arith.select %ge3A_579, %broadcast_in_dim3A_3, %broadcast_in_dim3A_5 : vector<16xi1>, vector<16xi32>
      %add3A_581 = arith.addi %add3A_575, %select_n3A_580 : vector<16xi32>
      %slice3A_582 = vector.extract_strided_slice %get3A_528 {offsets = [9], sizes = [1], strides = [1]} : vector<16xf32> to vector<1xf32>
      %squeeze3A_583 = vector.extract %slice3A_582[0] : f32 from vector<1xf32>
      %broadcast_in_dim3A_584 = vector.broadcast %squeeze3A_583 : f32 to vector<16xf32>
      %ge3A_585 = arith.cmpf oge, %broadcast_in_dim3A_584, %get3A_9 : vector<16xf32>
      %select_n3A_586 = arith.select %ge3A_585, %broadcast_in_dim3A_3, %broadcast_in_dim3A_5 : vector<16xi1>, vector<16xi32>
      %add3A_587 = arith.addi %add3A_581, %select_n3A_586 : vector<16xi32>
      %slice3A_588 = vector.extract_strided_slice %get3A_528 {offsets = [10], sizes = [1], strides = [1]} : vector<16xf32> to vector<1xf32>
      %squeeze3A_589 = vector.extract %slice3A_588[0] : f32 from vector<1xf32>
      %broadcast_in_dim3A_590 = vector.broadcast %squeeze3A_589 : f32 to vector<16xf32>
      %ge3A_591 = arith.cmpf oge, %broadcast_in_dim3A_590, %get3A_9 : vector<16xf32>
      %select_n3A_592 = arith.select %ge3A_591, %broadcast_in_dim3A_3, %broadcast_in_dim3A_5 : vector<16xi1>, vector<16xi32>
      %add3A_593 = arith.addi %add3A_587, %select_n3A_592 : vector<16xi32>
      %slice3A_594 = vector.extract_strided_slice %get3A_528 {offsets = [11], sizes = [1], strides = [1]} : vector<16xf32> to vector<1xf32>
      %squeeze3A_595 = vector.extract %slice3A_594[0] : f32 from vector<1xf32>
      %broadcast_in_dim3A_596 = vector.broadcast %squeeze3A_595 : f32 to vector<16xf32>
      %ge3A_597 = arith.cmpf oge, %broadcast_in_dim3A_596, %get3A_9 : vector<16xf32>
      %select_n3A_598 = arith.select %ge3A_597, %broadcast_in_dim3A_3, %broadcast_in_dim3A_5 : vector<16xi1>, vector<16xi32>
      %add3A_599 = arith.addi %add3A_593, %select_n3A_598 : vector<16xi32>
      %slice3A_600 = vector.extract_strided_slice %get3A_528 {offsets = [12], sizes = [1], strides = [1]} : vector<16xf32> to vector<1xf32>
      %squeeze3A_601 = vector.extract %slice3A_600[0] : f32 from vector<1xf32>
      %broadcast_in_dim3A_602 = vector.broadcast %squeeze3A_601 : f32 to vector<16xf32>
      %ge3A_603 = arith.cmpf oge, %broadcast_in_dim3A_602, %get3A_9 : vector<16xf32>
      %select_n3A_604 = arith.select %ge3A_603, %broadcast_in_dim3A_3, %broadcast_in_dim3A_5 : vector<16xi1>, vector<16xi32>
      %add3A_605 = arith.addi %add3A_599, %select_n3A_604 : vector<16xi32>
      %slice3A_606 = vector.extract_strided_slice %get3A_528 {offsets = [13], sizes = [1], strides = [1]} : vector<16xf32> to vector<1xf32>
      %squeeze3A_607 = vector.extract %slice3A_606[0] : f32 from vector<1xf32>
      %broadcast_in_dim3A_608 = vector.broadcast %squeeze3A_607 : f32 to vector<16xf32>
      %ge3A_609 = arith.cmpf oge, %broadcast_in_dim3A_608, %get3A_9 : vector<16xf32>
      %select_n3A_610 = arith.select %ge3A_609, %broadcast_in_dim3A_3, %broadcast_in_dim3A_5 : vector<16xi1>, vector<16xi32>
      %add3A_611 = arith.addi %add3A_605, %select_n3A_610 : vector<16xi32>
      %slice3A_612 = vector.extract_strided_slice %get3A_528 {offsets = [14], sizes = [1], strides = [1]} : vector<16xf32> to vector<1xf32>
      %squeeze3A_613 = vector.extract %slice3A_612[0] : f32 from vector<1xf32>
      %broadcast_in_dim3A_614 = vector.broadcast %squeeze3A_613 : f32 to vector<16xf32>
      %ge3A_615 = arith.cmpf oge, %broadcast_in_dim3A_614, %get3A_9 : vector<16xf32>
      %select_n3A_616 = arith.select %ge3A_615, %broadcast_in_dim3A_3, %broadcast_in_dim3A_5 : vector<16xi1>, vector<16xi32>
      %add3A_617 = arith.addi %add3A_611, %select_n3A_616 : vector<16xi32>
      %slice3A_618 = vector.extract_strided_slice %get3A_528 {offsets = [15], sizes = [1], strides = [1]} : vector<16xf32> to vector<1xf32>
      %squeeze3A_619 = vector.extract %slice3A_618[0] : f32 from vector<1xf32>
      %broadcast_in_dim3A_620 = vector.broadcast %squeeze3A_619 : f32 to vector<16xf32>
      %ge3A_621 = arith.cmpf oge, %broadcast_in_dim3A_620, %get3A_9 : vector<16xf32>
      %select_n3A_622 = arith.select %ge3A_621, %broadcast_in_dim3A_3, %broadcast_in_dim3A_5 : vector<16xi1>, vector<16xi32>
      %add3A_623 = arith.addi %add3A_617, %select_n3A_622 : vector<16xi32>
      scf.yield %add3A_623 : vector<16xi32>
    }
    %get3A_26 = arith.index_cast %add3A_7 : i32 to index
    %get3A_27 = tpu.vector_load %arg7[%get3A_26] {strides = array<i32>} : memref<1024xf32, #tpu.memory_space<vmem>>, vector<16xf32>,
    %get3A_28 = vector.shape_cast %get3A_27 : vector<16xf32> to vector<16xf32>
    %slice3A = vector.extract_strided_slice %get3A_28 {offsets = [0], sizes = [1], strides = [1]} : vector<16xf32> to vector<1xf32>
    %squeeze3A = vector.extract %slice3A[0] : f32 from vector<1xf32>
    %broadcast_in_dim3A_29 = vector.broadcast %squeeze3A : f32 to vector<16xf32>
    %gt3A = arith.cmpf ogt, %broadcast_in_dim3A_29, %get3A_9 : vector<16xf32>
    %eq3A = arith.cmpf oeq, %broadcast_in_dim3A_29, %get3A_9 : vector<16xf32>
    %gt3A_30 = arith.constant 0 : i32
    %gt3A_31 = vector.broadcast %gt3A_30 : i32 to vector<16xi32>
    %gt3A_32 = arith.cmpi sgt, %iota3A, %gt3A_31 : vector<16xi32>
    %and3A = arith.andi %eq3A, %gt3A_32 : vector<16xi1>
    %or3A = arith.ori %gt3A, %and3A : vector<16xi1>
    %select_n3A = arith.select %or3A, %broadcast_in_dim3A_3, %broadcast_in_dim3A_5 : vector<16xi1>, vector<16xi32>
    %add3A_33 = arith.addi %while3A_25, %select_n3A : vector<16xi32>
    %slice3A_34 = vector.extract_strided_slice %get3A_28 {offsets = [1], sizes = [1], strides = [1]} : vector<16xf32> to vector<1xf32>
    %squeeze3A_35 = vector.extract %slice3A_34[0] : f32 from vector<1xf32>
    %broadcast_in_dim3A_36 = vector.broadcast %squeeze3A_35 : f32 to vector<16xf32>
    %gt3A_37 = arith.cmpf ogt, %broadcast_in_dim3A_36, %get3A_9 : vector<16xf32>
    %eq3A_38 = arith.cmpf oeq, %broadcast_in_dim3A_36, %get3A_9 : vector<16xf32>
    %gt3A_39 = arith.constant 1 : i32
    %gt3A_40 = vector.broadcast %gt3A_39 : i32 to vector<16xi32>
    %gt3A_41 = arith.cmpi sgt, %iota3A, %gt3A_40 : vector<16xi32>
    %and3A_42 = arith.andi %eq3A_38, %gt3A_41 : vector<16xi1>
    %or3A_43 = arith.ori %gt3A_37, %and3A_42 : vector<16xi1>
    %select_n3A_44 = arith.select %or3A_43, %broadcast_in_dim3A_3, %broadcast_in_dim3A_5 : vector<16xi1>, vector<16xi32>
    %add3A_45 = arith.addi %add3A_33, %select_n3A_44 : vector<16xi32>
    %slice3A_46 = vector.extract_strided_slice %get3A_28 {offsets = [2], sizes = [1], strides = [1]} : vector<16xf32> to vector<1xf32>
    %squeeze3A_47 = vector.extract %slice3A_46[0] : f32 from vector<1xf32>
    %broadcast_in_dim3A_48 = vector.broadcast %squeeze3A_47 : f32 to vector<16xf32>
    %gt3A_49 = arith.cmpf ogt, %broadcast_in_dim3A_48, %get3A_9 : vector<16xf32>
    %eq3A_50 = arith.cmpf oeq, %broadcast_in_dim3A_48, %get3A_9 : vector<16xf32>
    %gt3A_51 = arith.constant 2 : i32
    %gt3A_52 = vector.broadcast %gt3A_51 : i32 to vector<16xi32>
    %gt3A_53 = arith.cmpi sgt, %iota3A, %gt3A_52 : vector<16xi32>
    %and3A_54 = arith.andi %eq3A_50, %gt3A_53 : vector<16xi1>
    %or3A_55 = arith.ori %gt3A_49, %and3A_54 : vector<16xi1>
    %select_n3A_56 = arith.select %or3A_55, %broadcast_in_dim3A_3, %broadcast_in_dim3A_5 : vector<16xi1>, vector<16xi32>
    %add3A_57 = arith.addi %add3A_45, %select_n3A_56 : vector<16xi32>
    %slice3A_58 = vector.extract_strided_slice %get3A_28 {offsets = [3], sizes = [1], strides = [1]} : vector<16xf32> to vector<1xf32>
    %squeeze3A_59 = vector.extract %slice3A_58[0] : f32 from vector<1xf32>
    %broadcast_in_dim3A_60 = vector.broadcast %squeeze3A_59 : f32 to vector<16xf32>
    %gt3A_61 = arith.cmpf ogt, %broadcast_in_dim3A_60, %get3A_9 : vector<16xf32>
    %eq3A_62 = arith.cmpf oeq, %broadcast_in_dim3A_60, %get3A_9 : vector<16xf32>
    %gt3A_63 = arith.constant 3 : i32
    %gt3A_64 = vector.broadcast %gt3A_63 : i32 to vector<16xi32>
    %gt3A_65 = arith.cmpi sgt, %iota3A, %gt3A_64 : vector<16xi32>
    %and3A_66 = arith.andi %eq3A_62, %gt3A_65 : vector<16xi1>
    %or3A_67 = arith.ori %gt3A_61, %and3A_66 : vector<16xi1>
    %select_n3A_68 = arith.select %or3A_67, %broadcast_in_dim3A_3, %broadcast_in_dim3A_5 : vector<16xi1>, vector<16xi32>
    %add3A_69 = arith.addi %add3A_57, %select_n3A_68 : vector<16xi32>
    %slice3A_70 = vector.extract_strided_slice %get3A_28 {offsets = [4], sizes = [1], strides = [1]} : vector<16xf32> to vector<1xf32>
    %squeeze3A_71 = vector.extract %slice3A_70[0] : f32 from vector<1xf32>
    %broadcast_in_dim3A_72 = vector.broadcast %squeeze3A_71 : f32 to vector<16xf32>
    %gt3A_73 = arith.cmpf ogt, %broadcast_in_dim3A_72, %get3A_9 : vector<16xf32>
    %eq3A_74 = arith.cmpf oeq, %broadcast_in_dim3A_72, %get3A_9 : vector<16xf32>
    %gt3A_75 = arith.constant 4 : i32
    %gt3A_76 = vector.broadcast %gt3A_75 : i32 to vector<16xi32>
    %gt3A_77 = arith.cmpi sgt, %iota3A, %gt3A_76 : vector<16xi32>
    %and3A_78 = arith.andi %eq3A_74, %gt3A_77 : vector<16xi1>
    %or3A_79 = arith.ori %gt3A_73, %and3A_78 : vector<16xi1>
    %select_n3A_80 = arith.select %or3A_79, %broadcast_in_dim3A_3, %broadcast_in_dim3A_5 : vector<16xi1>, vector<16xi32>
    %add3A_81 = arith.addi %add3A_69, %select_n3A_80 : vector<16xi32>
    %slice3A_82 = vector.extract_strided_slice %get3A_28 {offsets = [5], sizes = [1], strides = [1]} : vector<16xf32> to vector<1xf32>
    %squeeze3A_83 = vector.extract %slice3A_82[0] : f32 from vector<1xf32>
    %broadcast_in_dim3A_84 = vector.broadcast %squeeze3A_83 : f32 to vector<16xf32>
    %gt3A_85 = arith.cmpf ogt, %broadcast_in_dim3A_84, %get3A_9 : vector<16xf32>
    %eq3A_86 = arith.cmpf oeq, %broadcast_in_dim3A_84, %get3A_9 : vector<16xf32>
    %gt3A_87 = arith.constant 5 : i32
    %gt3A_88 = vector.broadcast %gt3A_87 : i32 to vector<16xi32>
    %gt3A_89 = arith.cmpi sgt, %iota3A, %gt3A_88 : vector<16xi32>
    %and3A_90 = arith.andi %eq3A_86, %gt3A_89 : vector<16xi1>
    %or3A_91 = arith.ori %gt3A_85, %and3A_90 : vector<16xi1>
    %select_n3A_92 = arith.select %or3A_91, %broadcast_in_dim3A_3, %broadcast_in_dim3A_5 : vector<16xi1>, vector<16xi32>
    %add3A_93 = arith.addi %add3A_81, %select_n3A_92 : vector<16xi32>
    %slice3A_94 = vector.extract_strided_slice %get3A_28 {offsets = [6], sizes = [1], strides = [1]} : vector<16xf32> to vector<1xf32>
    %squeeze3A_95 = vector.extract %slice3A_94[0] : f32 from vector<1xf32>
    %broadcast_in_dim3A_96 = vector.broadcast %squeeze3A_95 : f32 to vector<16xf32>
    %gt3A_97 = arith.cmpf ogt, %broadcast_in_dim3A_96, %get3A_9 : vector<16xf32>
    %eq3A_98 = arith.cmpf oeq, %broadcast_in_dim3A_96, %get3A_9 : vector<16xf32>
    %gt3A_99 = arith.constant 6 : i32
    %gt3A_100 = vector.broadcast %gt3A_99 : i32 to vector<16xi32>
    %gt3A_101 = arith.cmpi sgt, %iota3A, %gt3A_100 : vector<16xi32>
    %and3A_102 = arith.andi %eq3A_98, %gt3A_101 : vector<16xi1>
    %or3A_103 = arith.ori %gt3A_97, %and3A_102 : vector<16xi1>
    %select_n3A_104 = arith.select %or3A_103, %broadcast_in_dim3A_3, %broadcast_in_dim3A_5 : vector<16xi1>, vector<16xi32>
    %add3A_105 = arith.addi %add3A_93, %select_n3A_104 : vector<16xi32>
    %slice3A_106 = vector.extract_strided_slice %get3A_28 {offsets = [7], sizes = [1], strides = [1]} : vector<16xf32> to vector<1xf32>
    %squeeze3A_107 = vector.extract %slice3A_106[0] : f32 from vector<1xf32>
    %broadcast_in_dim3A_108 = vector.broadcast %squeeze3A_107 : f32 to vector<16xf32>
    %gt3A_109 = arith.cmpf ogt, %broadcast_in_dim3A_108, %get3A_9 : vector<16xf32>
    %eq3A_110 = arith.cmpf oeq, %broadcast_in_dim3A_108, %get3A_9 : vector<16xf32>
    %gt3A_111 = arith.constant 7 : i32
    %gt3A_112 = vector.broadcast %gt3A_111 : i32 to vector<16xi32>
    %gt3A_113 = arith.cmpi sgt, %iota3A, %gt3A_112 : vector<16xi32>
    %and3A_114 = arith.andi %eq3A_110, %gt3A_113 : vector<16xi1>
    %or3A_115 = arith.ori %gt3A_109, %and3A_114 : vector<16xi1>
    %select_n3A_116 = arith.select %or3A_115, %broadcast_in_dim3A_3, %broadcast_in_dim3A_5 : vector<16xi1>, vector<16xi32>
    %add3A_117 = arith.addi %add3A_105, %select_n3A_116 : vector<16xi32>
    %slice3A_118 = vector.extract_strided_slice %get3A_28 {offsets = [8], sizes = [1], strides = [1]} : vector<16xf32> to vector<1xf32>
    %squeeze3A_119 = vector.extract %slice3A_118[0] : f32 from vector<1xf32>
    %broadcast_in_dim3A_120 = vector.broadcast %squeeze3A_119 : f32 to vector<16xf32>
    %gt3A_121 = arith.cmpf ogt, %broadcast_in_dim3A_120, %get3A_9 : vector<16xf32>
    %eq3A_122 = arith.cmpf oeq, %broadcast_in_dim3A_120, %get3A_9 : vector<16xf32>
    %gt3A_123 = arith.constant 8 : i32
    %gt3A_124 = vector.broadcast %gt3A_123 : i32 to vector<16xi32>
    %gt3A_125 = arith.cmpi sgt, %iota3A, %gt3A_124 : vector<16xi32>
    %and3A_126 = arith.andi %eq3A_122, %gt3A_125 : vector<16xi1>
    %or3A_127 = arith.ori %gt3A_121, %and3A_126 : vector<16xi1>
    %select_n3A_128 = arith.select %or3A_127, %broadcast_in_dim3A_3, %broadcast_in_dim3A_5 : vector<16xi1>, vector<16xi32>
    %add3A_129 = arith.addi %add3A_117, %select_n3A_128 : vector<16xi32>
    %slice3A_130 = vector.extract_strided_slice %get3A_28 {offsets = [9], sizes = [1], strides = [1]} : vector<16xf32> to vector<1xf32>
    %squeeze3A_131 = vector.extract %slice3A_130[0] : f32 from vector<1xf32>
    %broadcast_in_dim3A_132 = vector.broadcast %squeeze3A_131 : f32 to vector<16xf32>
    %gt3A_133 = arith.cmpf ogt, %broadcast_in_dim3A_132, %get3A_9 : vector<16xf32>
    %eq3A_134 = arith.cmpf oeq, %broadcast_in_dim3A_132, %get3A_9 : vector<16xf32>
    %gt3A_135 = arith.constant 9 : i32
    %gt3A_136 = vector.broadcast %gt3A_135 : i32 to vector<16xi32>
    %gt3A_137 = arith.cmpi sgt, %iota3A, %gt3A_136 : vector<16xi32>
    %and3A_138 = arith.andi %eq3A_134, %gt3A_137 : vector<16xi1>
    %or3A_139 = arith.ori %gt3A_133, %and3A_138 : vector<16xi1>
    %select_n3A_140 = arith.select %or3A_139, %broadcast_in_dim3A_3, %broadcast_in_dim3A_5 : vector<16xi1>, vector<16xi32>
    %add3A_141 = arith.addi %add3A_129, %select_n3A_140 : vector<16xi32>
    %slice3A_142 = vector.extract_strided_slice %get3A_28 {offsets = [10], sizes = [1], strides = [1]} : vector<16xf32> to vector<1xf32>
    %squeeze3A_143 = vector.extract %slice3A_142[0] : f32 from vector<1xf32>
    %broadcast_in_dim3A_144 = vector.broadcast %squeeze3A_143 : f32 to vector<16xf32>
    %gt3A_145 = arith.cmpf ogt, %broadcast_in_dim3A_144, %get3A_9 : vector<16xf32>
    %eq3A_146 = arith.cmpf oeq, %broadcast_in_dim3A_144, %get3A_9 : vector<16xf32>
    %gt3A_147 = arith.constant 10 : i32
    %gt3A_148 = vector.broadcast %gt3A_147 : i32 to vector<16xi32>
    %gt3A_149 = arith.cmpi sgt, %iota3A, %gt3A_148 : vector<16xi32>
    %and3A_150 = arith.andi %eq3A_146, %gt3A_149 : vector<16xi1>
    %or3A_151 = arith.ori %gt3A_145, %and3A_150 : vector<16xi1>
    %select_n3A_152 = arith.select %or3A_151, %broadcast_in_dim3A_3, %broadcast_in_dim3A_5 : vector<16xi1>, vector<16xi32>
    %add3A_153 = arith.addi %add3A_141, %select_n3A_152 : vector<16xi32>
    %slice3A_154 = vector.extract_strided_slice %get3A_28 {offsets = [11], sizes = [1], strides = [1]} : vector<16xf32> to vector<1xf32>
    %squeeze3A_155 = vector.extract %slice3A_154[0] : f32 from vector<1xf32>
    %broadcast_in_dim3A_156 = vector.broadcast %squeeze3A_155 : f32 to vector<16xf32>
    %gt3A_157 = arith.cmpf ogt, %broadcast_in_dim3A_156, %get3A_9 : vector<16xf32>
    %eq3A_158 = arith.cmpf oeq, %broadcast_in_dim3A_156, %get3A_9 : vector<16xf32>
    %gt3A_159 = arith.constant 11 : i32
    %gt3A_160 = vector.broadcast %gt3A_159 : i32 to vector<16xi32>
    %gt3A_161 = arith.cmpi sgt, %iota3A, %gt3A_160 : vector<16xi32>
    %and3A_162 = arith.andi %eq3A_158, %gt3A_161 : vector<16xi1>
    %or3A_163 = arith.ori %gt3A_157, %and3A_162 : vector<16xi1>
    %select_n3A_164 = arith.select %or3A_163, %broadcast_in_dim3A_3, %broadcast_in_dim3A_5 : vector<16xi1>, vector<16xi32>
    %add3A_165 = arith.addi %add3A_153, %select_n3A_164 : vector<16xi32>
    %slice3A_166 = vector.extract_strided_slice %get3A_28 {offsets = [12], sizes = [1], strides = [1]} : vector<16xf32> to vector<1xf32>
    %squeeze3A_167 = vector.extract %slice3A_166[0] : f32 from vector<1xf32>
    %broadcast_in_dim3A_168 = vector.broadcast %squeeze3A_167 : f32 to vector<16xf32>
    %gt3A_169 = arith.cmpf ogt, %broadcast_in_dim3A_168, %get3A_9 : vector<16xf32>
    %eq3A_170 = arith.cmpf oeq, %broadcast_in_dim3A_168, %get3A_9 : vector<16xf32>
    %gt3A_171 = arith.constant 12 : i32
    %gt3A_172 = vector.broadcast %gt3A_171 : i32 to vector<16xi32>
    %gt3A_173 = arith.cmpi sgt, %iota3A, %gt3A_172 : vector<16xi32>
    %and3A_174 = arith.andi %eq3A_170, %gt3A_173 : vector<16xi1>
    %or3A_175 = arith.ori %gt3A_169, %and3A_174 : vector<16xi1>
    %select_n3A_176 = arith.select %or3A_175, %broadcast_in_dim3A_3, %broadcast_in_dim3A_5 : vector<16xi1>, vector<16xi32>
    %add3A_177 = arith.addi %add3A_165, %select_n3A_176 : vector<16xi32>
    %slice3A_178 = vector.extract_strided_slice %get3A_28 {offsets = [13], sizes = [1], strides = [1]} : vector<16xf32> to vector<1xf32>
    %squeeze3A_179 = vector.extract %slice3A_178[0] : f32 from vector<1xf32>
    %broadcast_in_dim3A_180 = vector.broadcast %squeeze3A_179 : f32 to vector<16xf32>
    %gt3A_181 = arith.cmpf ogt, %broadcast_in_dim3A_180, %get3A_9 : vector<16xf32>
    %eq3A_182 = arith.cmpf oeq, %broadcast_in_dim3A_180, %get3A_9 : vector<16xf32>
    %gt3A_183 = arith.constant 13 : i32
    %gt3A_184 = vector.broadcast %gt3A_183 : i32 to vector<16xi32>
    %gt3A_185 = arith.cmpi sgt, %iota3A, %gt3A_184 : vector<16xi32>
    %and3A_186 = arith.andi %eq3A_182, %gt3A_185 : vector<16xi1>
    %or3A_187 = arith.ori %gt3A_181, %and3A_186 : vector<16xi1>
    %select_n3A_188 = arith.select %or3A_187, %broadcast_in_dim3A_3, %broadcast_in_dim3A_5 : vector<16xi1>, vector<16xi32>
    %add3A_189 = arith.addi %add3A_177, %select_n3A_188 : vector<16xi32>
    %slice3A_190 = vector.extract_strided_slice %get3A_28 {offsets = [14], sizes = [1], strides = [1]} : vector<16xf32> to vector<1xf32>
    %squeeze3A_191 = vector.extract %slice3A_190[0] : f32 from vector<1xf32>
    %broadcast_in_dim3A_192 = vector.broadcast %squeeze3A_191 : f32 to vector<16xf32>
    %gt3A_193 = arith.cmpf ogt, %broadcast_in_dim3A_192, %get3A_9 : vector<16xf32>
    %eq3A_194 = arith.cmpf oeq, %broadcast_in_dim3A_192, %get3A_9 : vector<16xf32>
    %gt3A_195 = arith.constant 14 : i32
    %gt3A_196 = vector.broadcast %gt3A_195 : i32 to vector<16xi32>
    %gt3A_197 = arith.cmpi sgt, %iota3A, %gt3A_196 : vector<16xi32>
    %and3A_198 = arith.andi %eq3A_194, %gt3A_197 : vector<16xi1>
    %or3A_199 = arith.ori %gt3A_193, %and3A_198 : vector<16xi1>
    %select_n3A_200 = arith.select %or3A_199, %broadcast_in_dim3A_3, %broadcast_in_dim3A_5 : vector<16xi1>, vector<16xi32>
    %add3A_201 = arith.addi %add3A_189, %select_n3A_200 : vector<16xi32>
    %slice3A_202 = vector.extract_strided_slice %get3A_28 {offsets = [15], sizes = [1], strides = [1]} : vector<16xf32> to vector<1xf32>
    %squeeze3A_203 = vector.extract %slice3A_202[0] : f32 from vector<1xf32>
    %broadcast_in_dim3A_204 = vector.broadcast %squeeze3A_203 : f32 to vector<16xf32>
    %gt3A_205 = arith.cmpf ogt, %broadcast_in_dim3A_204, %get3A_9 : vector<16xf32>
    %eq3A_206 = arith.cmpf oeq, %broadcast_in_dim3A_204, %get3A_9 : vector<16xf32>
    %gt3A_207 = arith.constant 15 : i32
    %gt3A_208 = vector.broadcast %gt3A_207 : i32 to vector<16xi32>
    %gt3A_209 = arith.cmpi sgt, %iota3A, %gt3A_208 : vector<16xi32>
    %and3A_210 = arith.andi %eq3A_206, %gt3A_209 : vector<16xi1>
    %or3A_211 = arith.ori %gt3A_205, %and3A_210 : vector<16xi1>
    %select_n3A_212 = arith.select %or3A_211, %broadcast_in_dim3A_3, %broadcast_in_dim3A_5 : vector<16xi1>, vector<16xi32>
    %add3A_213 = arith.addi %add3A_201, %select_n3A_212 : vector<16xi32>
    %add3A_214 = arith.constant 1 : i32
    %add3A_215 = arith.addi %add3A_13, %add3A_214 : i32
    %while3A_216 = arith.constant 57 : i32
    %while3A_217 = arith.subi %while3A_216, %add3A_215 : i32
    %while3A_218 = arith.addi %add3A_215, %while3A_217 : i32
    %while3A_219 = arith.constant 1 : i32
    %while3A_220 = arith.divsi %while3A_217, %while3A_219 : i32
    %while3A_221 = arith.muli %while3A_220, %while3A_219 : i32
    %while3A_222 = arith.addi %add3A_215, %while3A_221 : i32
    %while3A_223 = arith.constant 1 : i32
    %while3A_224 = scf.for %while3A_522 = %add3A_215 to %while3A_222 step %while3A_223 iter_args(%while3A_523 = %add3A_213) -> (vector<16xi32>)  : i32 {
      %mul3A_524 = arith.constant 16 : i32
      %mul3A_525 = arith.muli %mul3A_524, %while3A_522 : i32
      %get3A_526 = arith.index_cast %mul3A_525 : i32 to index
      %get3A_527 = tpu.vector_load %arg7[%get3A_526] {strides = array<i32>} : memref<1024xf32, #tpu.memory_space<vmem>>, vector<16xf32>,
      %get3A_528 = vector.shape_cast %get3A_527 : vector<16xf32> to vector<16xf32>
      %slice3A_529 = vector.extract_strided_slice %get3A_528 {offsets = [0], sizes = [1], strides = [1]} : vector<16xf32> to vector<1xf32>
      %squeeze3A_530 = vector.extract %slice3A_529[0] : f32 from vector<1xf32>
      %broadcast_in_dim3A_531 = vector.broadcast %squeeze3A_530 : f32 to vector<16xf32>
      %gt3A_532 = arith.cmpf ogt, %broadcast_in_dim3A_531, %get3A_9 : vector<16xf32>
      %select_n3A_533 = arith.select %gt3A_532, %broadcast_in_dim3A_3, %broadcast_in_dim3A_5 : vector<16xi1>, vector<16xi32>
      %add3A_534 = arith.addi %while3A_523, %select_n3A_533 : vector<16xi32>
      %slice3A_535 = vector.extract_strided_slice %get3A_528 {offsets = [1], sizes = [1], strides = [1]} : vector<16xf32> to vector<1xf32>
      %squeeze3A_536 = vector.extract %slice3A_535[0] : f32 from vector<1xf32>
      %broadcast_in_dim3A_537 = vector.broadcast %squeeze3A_536 : f32 to vector<16xf32>
      %gt3A_538 = arith.cmpf ogt, %broadcast_in_dim3A_537, %get3A_9 : vector<16xf32>
      %select_n3A_539 = arith.select %gt3A_538, %broadcast_in_dim3A_3, %broadcast_in_dim3A_5 : vector<16xi1>, vector<16xi32>
      %add3A_540 = arith.addi %add3A_534, %select_n3A_539 : vector<16xi32>
      %slice3A_541 = vector.extract_strided_slice %get3A_528 {offsets = [2], sizes = [1], strides = [1]} : vector<16xf32> to vector<1xf32>
      %squeeze3A_542 = vector.extract %slice3A_541[0] : f32 from vector<1xf32>
      %broadcast_in_dim3A_543 = vector.broadcast %squeeze3A_542 : f32 to vector<16xf32>
      %gt3A_544 = arith.cmpf ogt, %broadcast_in_dim3A_543, %get3A_9 : vector<16xf32>
      %select_n3A_545 = arith.select %gt3A_544, %broadcast_in_dim3A_3, %broadcast_in_dim3A_5 : vector<16xi1>, vector<16xi32>
      %add3A_546 = arith.addi %add3A_540, %select_n3A_545 : vector<16xi32>
      %slice3A_547 = vector.extract_strided_slice %get3A_528 {offsets = [3], sizes = [1], strides = [1]} : vector<16xf32> to vector<1xf32>
      %squeeze3A_548 = vector.extract %slice3A_547[0] : f32 from vector<1xf32>
      %broadcast_in_dim3A_549 = vector.broadcast %squeeze3A_548 : f32 to vector<16xf32>
      %gt3A_550 = arith.cmpf ogt, %broadcast_in_dim3A_549, %get3A_9 : vector<16xf32>
      %select_n3A_551 = arith.select %gt3A_550, %broadcast_in_dim3A_3, %broadcast_in_dim3A_5 : vector<16xi1>, vector<16xi32>
      %add3A_552 = arith.addi %add3A_546, %select_n3A_551 : vector<16xi32>
      %slice3A_553 = vector.extract_strided_slice %get3A_528 {offsets = [4], sizes = [1], strides = [1]} : vector<16xf32> to vector<1xf32>
      %squeeze3A_554 = vector.extract %slice3A_553[0] : f32 from vector<1xf32>
      %broadcast_in_dim3A_555 = vector.broadcast %squeeze3A_554 : f32 to vector<16xf32>
      %gt3A_556 = arith.cmpf ogt, %broadcast_in_dim3A_555, %get3A_9 : vector<16xf32>
      %select_n3A_557 = arith.select %gt3A_556, %broadcast_in_dim3A_3, %broadcast_in_dim3A_5 : vector<16xi1>, vector<16xi32>
      %add3A_558 = arith.addi %add3A_552, %select_n3A_557 : vector<16xi32>
      %slice3A_559 = vector.extract_strided_slice %get3A_528 {offsets = [5], sizes = [1], strides = [1]} : vector<16xf32> to vector<1xf32>
      %squeeze3A_560 = vector.extract %slice3A_559[0] : f32 from vector<1xf32>
      %broadcast_in_dim3A_561 = vector.broadcast %squeeze3A_560 : f32 to vector<16xf32>
      %gt3A_562 = arith.cmpf ogt, %broadcast_in_dim3A_561, %get3A_9 : vector<16xf32>
      %select_n3A_563 = arith.select %gt3A_562, %broadcast_in_dim3A_3, %broadcast_in_dim3A_5 : vector<16xi1>, vector<16xi32>
      %add3A_564 = arith.addi %add3A_558, %select_n3A_563 : vector<16xi32>
      %slice3A_565 = vector.extract_strided_slice %get3A_528 {offsets = [6], sizes = [1], strides = [1]} : vector<16xf32> to vector<1xf32>
      %squeeze3A_566 = vector.extract %slice3A_565[0] : f32 from vector<1xf32>
      %broadcast_in_dim3A_567 = vector.broadcast %squeeze3A_566 : f32 to vector<16xf32>
      %gt3A_568 = arith.cmpf ogt, %broadcast_in_dim3A_567, %get3A_9 : vector<16xf32>
      %select_n3A_569 = arith.select %gt3A_568, %broadcast_in_dim3A_3, %broadcast_in_dim3A_5 : vector<16xi1>, vector<16xi32>
      %add3A_570 = arith.addi %add3A_564, %select_n3A_569 : vector<16xi32>
      %slice3A_571 = vector.extract_strided_slice %get3A_528 {offsets = [7], sizes = [1], strides = [1]} : vector<16xf32> to vector<1xf32>
      %squeeze3A_572 = vector.extract %slice3A_571[0] : f32 from vector<1xf32>
      %broadcast_in_dim3A_573 = vector.broadcast %squeeze3A_572 : f32 to vector<16xf32>
      %gt3A_574 = arith.cmpf ogt, %broadcast_in_dim3A_573, %get3A_9 : vector<16xf32>
      %select_n3A_575 = arith.select %gt3A_574, %broadcast_in_dim3A_3, %broadcast_in_dim3A_5 : vector<16xi1>, vector<16xi32>
      %add3A_576 = arith.addi %add3A_570, %select_n3A_575 : vector<16xi32>
      %slice3A_577 = vector.extract_strided_slice %get3A_528 {offsets = [8], sizes = [1], strides = [1]} : vector<16xf32> to vector<1xf32>
      %squeeze3A_578 = vector.extract %slice3A_577[0] : f32 from vector<1xf32>
      %broadcast_in_dim3A_579 = vector.broadcast %squeeze3A_578 : f32 to vector<16xf32>
      %gt3A_580 = arith.cmpf ogt, %broadcast_in_dim3A_579, %get3A_9 : vector<16xf32>
      %select_n3A_581 = arith.select %gt3A_580, %broadcast_in_dim3A_3, %broadcast_in_dim3A_5 : vector<16xi1>, vector<16xi32>
      %add3A_582 = arith.addi %add3A_576, %select_n3A_581 : vector<16xi32>
      %slice3A_583 = vector.extract_strided_slice %get3A_528 {offsets = [9], sizes = [1], strides = [1]} : vector<16xf32> to vector<1xf32>
      %squeeze3A_584 = vector.extract %slice3A_583[0] : f32 from vector<1xf32>
      %broadcast_in_dim3A_585 = vector.broadcast %squeeze3A_584 : f32 to vector<16xf32>
      %gt3A_586 = arith.cmpf ogt, %broadcast_in_dim3A_585, %get3A_9 : vector<16xf32>
      %select_n3A_587 = arith.select %gt3A_586, %broadcast_in_dim3A_3, %broadcast_in_dim3A_5 : vector<16xi1>, vector<16xi32>
      %add3A_588 = arith.addi %add3A_582, %select_n3A_587 : vector<16xi32>
      %slice3A_589 = vector.extract_strided_slice %get3A_528 {offsets = [10], sizes = [1], strides = [1]} : vector<16xf32> to vector<1xf32>
      %squeeze3A_590 = vector.extract %slice3A_589[0] : f32 from vector<1xf32>
      %broadcast_in_dim3A_591 = vector.broadcast %squeeze3A_590 : f32 to vector<16xf32>
      %gt3A_592 = arith.cmpf ogt, %broadcast_in_dim3A_591, %get3A_9 : vector<16xf32>
      %select_n3A_593 = arith.select %gt3A_592, %broadcast_in_dim3A_3, %broadcast_in_dim3A_5 : vector<16xi1>, vector<16xi32>
      %add3A_594 = arith.addi %add3A_588, %select_n3A_593 : vector<16xi32>
      %slice3A_595 = vector.extract_strided_slice %get3A_528 {offsets = [11], sizes = [1], strides = [1]} : vector<16xf32> to vector<1xf32>
      %squeeze3A_596 = vector.extract %slice3A_595[0] : f32 from vector<1xf32>
      %broadcast_in_dim3A_597 = vector.broadcast %squeeze3A_596 : f32 to vector<16xf32>
      %gt3A_598 = arith.cmpf ogt, %broadcast_in_dim3A_597, %get3A_9 : vector<16xf32>
      %select_n3A_599 = arith.select %gt3A_598, %broadcast_in_dim3A_3, %broadcast_in_dim3A_5 : vector<16xi1>, vector<16xi32>
      %add3A_600 = arith.addi %add3A_594, %select_n3A_599 : vector<16xi32>
      %slice3A_601 = vector.extract_strided_slice %get3A_528 {offsets = [12], sizes = [1], strides = [1]} : vector<16xf32> to vector<1xf32>
      %squeeze3A_602 = vector.extract %slice3A_601[0] : f32 from vector<1xf32>
      %broadcast_in_dim3A_603 = vector.broadcast %squeeze3A_602 : f32 to vector<16xf32>
      %gt3A_604 = arith.cmpf ogt, %broadcast_in_dim3A_603, %get3A_9 : vector<16xf32>
      %select_n3A_605 = arith.select %gt3A_604, %broadcast_in_dim3A_3, %broadcast_in_dim3A_5 : vector<16xi1>, vector<16xi32>
      %add3A_606 = arith.addi %add3A_600, %select_n3A_605 : vector<16xi32>
      %slice3A_607 = vector.extract_strided_slice %get3A_528 {offsets = [13], sizes = [1], strides = [1]} : vector<16xf32> to vector<1xf32>
      %squeeze3A_608 = vector.extract %slice3A_607[0] : f32 from vector<1xf32>
      %broadcast_in_dim3A_609 = vector.broadcast %squeeze3A_608 : f32 to vector<16xf32>
      %gt3A_610 = arith.cmpf ogt, %broadcast_in_dim3A_609, %get3A_9 : vector<16xf32>
      %select_n3A_611 = arith.select %gt3A_610, %broadcast_in_dim3A_3, %broadcast_in_dim3A_5 : vector<16xi1>, vector<16xi32>
      %add3A_612 = arith.addi %add3A_606, %select_n3A_611 : vector<16xi32>
      %slice3A_613 = vector.extract_strided_slice %get3A_528 {offsets = [14], sizes = [1], strides = [1]} : vector<16xf32> to vector<1xf32>
      %squeeze3A_614 = vector.extract %slice3A_613[0] : f32 from vector<1xf32>
      %broadcast_in_dim3A_615 = vector.broadcast %squeeze3A_614 : f32 to vector<16xf32>
      %gt3A_616 = arith.cmpf ogt, %broadcast_in_dim3A_615, %get3A_9 : vector<16xf32>
      %select_n3A_617 = arith.select %gt3A_616, %broadcast_in_dim3A_3, %broadcast_in_dim3A_5 : vector<16xi1>, vector<16xi32>
      %add3A_618 = arith.addi %add3A_612, %select_n3A_617 : vector<16xi32>
      %slice3A_619 = vector.extract_strided_slice %get3A_528 {offsets = [15], sizes = [1], strides = [1]} : vector<16xf32> to vector<1xf32>
      %squeeze3A_620 = vector.extract %slice3A_619[0] : f32 from vector<1xf32>
      %broadcast_in_dim3A_621 = vector.broadcast %squeeze3A_620 : f32 to vector<16xf32>
      %gt3A_622 = arith.cmpf ogt, %broadcast_in_dim3A_621, %get3A_9 : vector<16xf32>
      %select_n3A_623 = arith.select %gt3A_622, %broadcast_in_dim3A_3, %broadcast_in_dim3A_5 : vector<16xi1>, vector<16xi32>
      %add3A_624 = arith.addi %add3A_618, %select_n3A_623 : vector<16xi32>
      scf.yield %add3A_624 : vector<16xi32>
    }
    %while3A_225 = arith.constant 1 : i32
    %while3A_226 = scf.for %while3A_522 = %while3A_222 to %while3A_218 step %while3A_225 iter_args(%while3A_523 = %while3A_224) -> (vector<16xi32>)  : i32 {
      %mul3A_524 = arith.constant 16 : i32
      %mul3A_525 = arith.muli %mul3A_524, %while3A_522 : i32
      %get3A_526 = arith.index_cast %mul3A_525 : i32 to index
      %get3A_527 = tpu.vector_load %arg7[%get3A_526] {strides = array<i32>} : memref<1024xf32, #tpu.memory_space<vmem>>, vector<16xf32>,
      %get3A_528 = vector.shape_cast %get3A_527 : vector<16xf32> to vector<16xf32>
      %slice3A_529 = vector.extract_strided_slice %get3A_528 {offsets = [0], sizes = [1], strides = [1]} : vector<16xf32> to vector<1xf32>
      %squeeze3A_530 = vector.extract %slice3A_529[0] : f32 from vector<1xf32>
      %broadcast_in_dim3A_531 = vector.broadcast %squeeze3A_530 : f32 to vector<16xf32>
      %gt3A_532 = arith.cmpf ogt, %broadcast_in_dim3A_531, %get3A_9 : vector<16xf32>
      %select_n3A_533 = arith.select %gt3A_532, %broadcast_in_dim3A_3, %broadcast_in_dim3A_5 : vector<16xi1>, vector<16xi32>
      %add3A_534 = arith.addi %while3A_523, %select_n3A_533 : vector<16xi32>
      %slice3A_535 = vector.extract_strided_slice %get3A_528 {offsets = [1], sizes = [1], strides = [1]} : vector<16xf32> to vector<1xf32>
      %squeeze3A_536 = vector.extract %slice3A_535[0] : f32 from vector<1xf32>
      %broadcast_in_dim3A_537 = vector.broadcast %squeeze3A_536 : f32 to vector<16xf32>
      %gt3A_538 = arith.cmpf ogt, %broadcast_in_dim3A_537, %get3A_9 : vector<16xf32>
      %select_n3A_539 = arith.select %gt3A_538, %broadcast_in_dim3A_3, %broadcast_in_dim3A_5 : vector<16xi1>, vector<16xi32>
      %add3A_540 = arith.addi %add3A_534, %select_n3A_539 : vector<16xi32>
      %slice3A_541 = vector.extract_strided_slice %get3A_528 {offsets = [2], sizes = [1], strides = [1]} : vector<16xf32> to vector<1xf32>
      %squeeze3A_542 = vector.extract %slice3A_541[0] : f32 from vector<1xf32>
      %broadcast_in_dim3A_543 = vector.broadcast %squeeze3A_542 : f32 to vector<16xf32>
      %gt3A_544 = arith.cmpf ogt, %broadcast_in_dim3A_543, %get3A_9 : vector<16xf32>
      %select_n3A_545 = arith.select %gt3A_544, %broadcast_in_dim3A_3, %broadcast_in_dim3A_5 : vector<16xi1>, vector<16xi32>
      %add3A_546 = arith.addi %add3A_540, %select_n3A_545 : vector<16xi32>
      %slice3A_547 = vector.extract_strided_slice %get3A_528 {offsets = [3], sizes = [1], strides = [1]} : vector<16xf32> to vector<1xf32>
      %squeeze3A_548 = vector.extract %slice3A_547[0] : f32 from vector<1xf32>
      %broadcast_in_dim3A_549 = vector.broadcast %squeeze3A_548 : f32 to vector<16xf32>
      %gt3A_550 = arith.cmpf ogt, %broadcast_in_dim3A_549, %get3A_9 : vector<16xf32>
      %select_n3A_551 = arith.select %gt3A_550, %broadcast_in_dim3A_3, %broadcast_in_dim3A_5 : vector<16xi1>, vector<16xi32>
      %add3A_552 = arith.addi %add3A_546, %select_n3A_551 : vector<16xi32>
      %slice3A_553 = vector.extract_strided_slice %get3A_528 {offsets = [4], sizes = [1], strides = [1]} : vector<16xf32> to vector<1xf32>
      %squeeze3A_554 = vector.extract %slice3A_553[0] : f32 from vector<1xf32>
      %broadcast_in_dim3A_555 = vector.broadcast %squeeze3A_554 : f32 to vector<16xf32>
      %gt3A_556 = arith.cmpf ogt, %broadcast_in_dim3A_555, %get3A_9 : vector<16xf32>
      %select_n3A_557 = arith.select %gt3A_556, %broadcast_in_dim3A_3, %broadcast_in_dim3A_5 : vector<16xi1>, vector<16xi32>
      %add3A_558 = arith.addi %add3A_552, %select_n3A_557 : vector<16xi32>
      %slice3A_559 = vector.extract_strided_slice %get3A_528 {offsets = [5], sizes = [1], strides = [1]} : vector<16xf32> to vector<1xf32>
      %squeeze3A_560 = vector.extract %slice3A_559[0] : f32 from vector<1xf32>
      %broadcast_in_dim3A_561 = vector.broadcast %squeeze3A_560 : f32 to vector<16xf32>
      %gt3A_562 = arith.cmpf ogt, %broadcast_in_dim3A_561, %get3A_9 : vector<16xf32>
      %select_n3A_563 = arith.select %gt3A_562, %broadcast_in_dim3A_3, %broadcast_in_dim3A_5 : vector<16xi1>, vector<16xi32>
      %add3A_564 = arith.addi %add3A_558, %select_n3A_563 : vector<16xi32>
      %slice3A_565 = vector.extract_strided_slice %get3A_528 {offsets = [6], sizes = [1], strides = [1]} : vector<16xf32> to vector<1xf32>
      %squeeze3A_566 = vector.extract %slice3A_565[0] : f32 from vector<1xf32>
      %broadcast_in_dim3A_567 = vector.broadcast %squeeze3A_566 : f32 to vector<16xf32>
      %gt3A_568 = arith.cmpf ogt, %broadcast_in_dim3A_567, %get3A_9 : vector<16xf32>
      %select_n3A_569 = arith.select %gt3A_568, %broadcast_in_dim3A_3, %broadcast_in_dim3A_5 : vector<16xi1>, vector<16xi32>
      %add3A_570 = arith.addi %add3A_564, %select_n3A_569 : vector<16xi32>
      %slice3A_571 = vector.extract_strided_slice %get3A_528 {offsets = [7], sizes = [1], strides = [1]} : vector<16xf32> to vector<1xf32>
      %squeeze3A_572 = vector.extract %slice3A_571[0] : f32 from vector<1xf32>
      %broadcast_in_dim3A_573 = vector.broadcast %squeeze3A_572 : f32 to vector<16xf32>
      %gt3A_574 = arith.cmpf ogt, %broadcast_in_dim3A_573, %get3A_9 : vector<16xf32>
      %select_n3A_575 = arith.select %gt3A_574, %broadcast_in_dim3A_3, %broadcast_in_dim3A_5 : vector<16xi1>, vector<16xi32>
      %add3A_576 = arith.addi %add3A_570, %select_n3A_575 : vector<16xi32>
      %slice3A_577 = vector.extract_strided_slice %get3A_528 {offsets = [8], sizes = [1], strides = [1]} : vector<16xf32> to vector<1xf32>
      %squeeze3A_578 = vector.extract %slice3A_577[0] : f32 from vector<1xf32>
      %broadcast_in_dim3A_579 = vector.broadcast %squeeze3A_578 : f32 to vector<16xf32>
      %gt3A_580 = arith.cmpf ogt, %broadcast_in_dim3A_579, %get3A_9 : vector<16xf32>
      %select_n3A_581 = arith.select %gt3A_580, %broadcast_in_dim3A_3, %broadcast_in_dim3A_5 : vector<16xi1>, vector<16xi32>
      %add3A_582 = arith.addi %add3A_576, %select_n3A_581 : vector<16xi32>
      %slice3A_583 = vector.extract_strided_slice %get3A_528 {offsets = [9], sizes = [1], strides = [1]} : vector<16xf32> to vector<1xf32>
      %squeeze3A_584 = vector.extract %slice3A_583[0] : f32 from vector<1xf32>
      %broadcast_in_dim3A_585 = vector.broadcast %squeeze3A_584 : f32 to vector<16xf32>
      %gt3A_586 = arith.cmpf ogt, %broadcast_in_dim3A_585, %get3A_9 : vector<16xf32>
      %select_n3A_587 = arith.select %gt3A_586, %broadcast_in_dim3A_3, %broadcast_in_dim3A_5 : vector<16xi1>, vector<16xi32>
      %add3A_588 = arith.addi %add3A_582, %select_n3A_587 : vector<16xi32>
      %slice3A_589 = vector.extract_strided_slice %get3A_528 {offsets = [10], sizes = [1], strides = [1]} : vector<16xf32> to vector<1xf32>
      %squeeze3A_590 = vector.extract %slice3A_589[0] : f32 from vector<1xf32>
      %broadcast_in_dim3A_591 = vector.broadcast %squeeze3A_590 : f32 to vector<16xf32>
      %gt3A_592 = arith.cmpf ogt, %broadcast_in_dim3A_591, %get3A_9 : vector<16xf32>
      %select_n3A_593 = arith.select %gt3A_592, %broadcast_in_dim3A_3, %broadcast_in_dim3A_5 : vector<16xi1>, vector<16xi32>
      %add3A_594 = arith.addi %add3A_588, %select_n3A_593 : vector<16xi32>
      %slice3A_595 = vector.extract_strided_slice %get3A_528 {offsets = [11], sizes = [1], strides = [1]} : vector<16xf32> to vector<1xf32>
      %squeeze3A_596 = vector.extract %slice3A_595[0] : f32 from vector<1xf32>
      %broadcast_in_dim3A_597 = vector.broadcast %squeeze3A_596 : f32 to vector<16xf32>
      %gt3A_598 = arith.cmpf ogt, %broadcast_in_dim3A_597, %get3A_9 : vector<16xf32>
      %select_n3A_599 = arith.select %gt3A_598, %broadcast_in_dim3A_3, %broadcast_in_dim3A_5 : vector<16xi1>, vector<16xi32>
      %add3A_600 = arith.addi %add3A_594, %select_n3A_599 : vector<16xi32>
      %slice3A_601 = vector.extract_strided_slice %get3A_528 {offsets = [12], sizes = [1], strides = [1]} : vector<16xf32> to vector<1xf32>
      %squeeze3A_602 = vector.extract %slice3A_601[0] : f32 from vector<1xf32>
      %broadcast_in_dim3A_603 = vector.broadcast %squeeze3A_602 : f32 to vector<16xf32>
      %gt3A_604 = arith.cmpf ogt, %broadcast_in_dim3A_603, %get3A_9 : vector<16xf32>
      %select_n3A_605 = arith.select %gt3A_604, %broadcast_in_dim3A_3, %broadcast_in_dim3A_5 : vector<16xi1>, vector<16xi32>
      %add3A_606 = arith.addi %add3A_600, %select_n3A_605 : vector<16xi32>
      %slice3A_607 = vector.extract_strided_slice %get3A_528 {offsets = [13], sizes = [1], strides = [1]} : vector<16xf32> to vector<1xf32>
      %squeeze3A_608 = vector.extract %slice3A_607[0] : f32 from vector<1xf32>
      %broadcast_in_dim3A_609 = vector.broadcast %squeeze3A_608 : f32 to vector<16xf32>
      %gt3A_610 = arith.cmpf ogt, %broadcast_in_dim3A_609, %get3A_9 : vector<16xf32>
      %select_n3A_611 = arith.select %gt3A_610, %broadcast_in_dim3A_3, %broadcast_in_dim3A_5 : vector<16xi1>, vector<16xi32>
      %add3A_612 = arith.addi %add3A_606, %select_n3A_611 : vector<16xi32>
      %slice3A_613 = vector.extract_strided_slice %get3A_528 {offsets = [14], sizes = [1], strides = [1]} : vector<16xf32> to vector<1xf32>
      %squeeze3A_614 = vector.extract %slice3A_613[0] : f32 from vector<1xf32>
      %broadcast_in_dim3A_615 = vector.broadcast %squeeze3A_614 : f32 to vector<16xf32>
      %gt3A_616 = arith.cmpf ogt, %broadcast_in_dim3A_615, %get3A_9 : vector<16xf32>
      %select_n3A_617 = arith.select %gt3A_616, %broadcast_in_dim3A_3, %broadcast_in_dim3A_5 : vector<16xi1>, vector<16xi32>
      %add3A_618 = arith.addi %add3A_612, %select_n3A_617 : vector<16xi32>
      %slice3A_619 = vector.extract_strided_slice %get3A_528 {offsets = [15], sizes = [1], strides = [1]} : vector<16xf32> to vector<1xf32>
      %squeeze3A_620 = vector.extract %slice3A_619[0] : f32 from vector<1xf32>
      %broadcast_in_dim3A_621 = vector.broadcast %squeeze3A_620 : f32 to vector<16xf32>
      %gt3A_622 = arith.cmpf ogt, %broadcast_in_dim3A_621, %get3A_9 : vector<16xf32>
      %select_n3A_623 = arith.select %gt3A_622, %broadcast_in_dim3A_3, %broadcast_in_dim3A_5 : vector<16xi1>, vector<16xi32>
      %add3A_624 = arith.addi %add3A_618, %select_n3A_623 : vector<16xi32>
      scf.yield %add3A_624 : vector<16xi32>
    }
    %add3A_227 = vector.broadcast %add3A_7 : i32 to vector<16xi32>
    %add3A_228 = arith.addi %iota3A, %add3A_227 : vector<16xi32>
    %lt3A = arith.constant 112 : i32
    %lt3A_229 = vector.broadcast %lt3A : i32 to vector<16xi32>
    %lt3A_230 = arith.cmpi slt, %while3A_226, %lt3A_229 : vector<16xi32>
    %lt3A_231 = arith.constant 900 : i32
    %lt3A_232 = vector.broadcast %lt3A_231 : i32 to vector<16xi32>
    %lt3A_233 = arith.cmpi slt, %add3A_228, %lt3A_232 : vector<16xi32>
    %and3A_234 = arith.andi %lt3A_230, %lt3A_233 : vector<16xi1>
    %jit3A = arith.constant 127 : i32
    %broadcast_in_dim3A_235 = vector.broadcast %jit3A : i32 to vector<16xi32>
    %select_n3A_236 = arith.select %and3A_234, %while3A_226, %broadcast_in_dim3A_235 : vector<16xi1>, vector<16xi32>
    %jit3A_237 = arith.constant 0 : i32
    %broadcast_in_dim3A_238 = vector.broadcast %jit3A_237 : i32 to vector<16xi32>
    %select_n3A_239 = arith.select %and3A_234, %add3A_228, %broadcast_in_dim3A_238 : vector<16xi1>, vector<16xi32>
    %swap3A = arith.constant 0 : index
    %swap3A_240 = tpu.vector_load %arg8[%swap3A] {strides = array<i32>} : memref<32xi32, #tpu.memory_space<vmem>>, vector<16xi32>,
    %swap3A_241 = vector.shape_cast %swap3A_240 : vector<16xi32> to vector<16xi32>
    %swap3A_242 = vector.shape_cast %select_n3A_239 : vector<16xi32> to vector<16xi32>
    tpu.vector_store %arg8[%swap3A], %swap3A_242 {strides = array<i32>} : memref<32xi32, #tpu.memory_space<vmem>>, vector<16xi32>,
    %swap3A_243 = arith.constant 0 : index
    %swap3A_244 = tpu.vector_load %arg9[%swap3A_243] {strides = array<i32>} : memref<32xi32, #tpu.memory_space<vmem>>, vector<16xi32>,
    %swap3A_245 = vector.shape_cast %swap3A_244 : vector<16xi32> to vector<16xi32>
    %swap3A_246 = vector.shape_cast %select_n3A_236 : vector<16xi32> to vector<16xi32>
    tpu.vector_store %arg9[%swap3A_243], %swap3A_246 {strides = array<i32>} : memref<32xi32, #tpu.memory_space<vmem>>, vector<16xi32>,
    %add3A_247 = arith.constant 16 : i32
    %add3A_248 = arith.addi %mul3A_2, %add3A_247 : i32
    %get3A_249 = arith.index_cast %add3A_248 : i32 to index
    %get3A_250 = tpu.vector_load %arg7[%get3A_249] {strides = array<i32>} : memref<1024xf32, #tpu.memory_space<vmem>>, vector<16xf32>,
    %get3A_251 = vector.shape_cast %get3A_250 : vector<16xf32> to vector<16xf32>
    %mul3A_252 = arith.constant 2 : i32
    %mul3A_253 = arith.muli %add3A, %mul3A_252 : i32
    %add3A_254 = arith.constant 1 : i32
    %add3A_255 = arith.addi %mul3A_253, %add3A_254 : i32
    %broadcast_in_dim3A_256 = arith.constant 0 : i32
    %broadcast_in_dim3A_257 = vector.broadcast %broadcast_in_dim3A_256 : i32 to vector<16xi32>
    %while3A_258 = arith.constant 0 : i32
    %while3A_259 = arith.subi %add3A_255, %while3A_258 : i32
    %while3A_260 = arith.addi %while3A_258, %while3A_259 : i32
    %while3A_261 = arith.constant 1 : i32
    %while3A_262 = arith.divsi %while3A_259, %while3A_261 : i32
    %while3A_263 = arith.muli %while3A_262, %while3A_261 : i32
    %while3A_264 = arith.addi %while3A_258, %while3A_263 : i32
    %while3A_265 = arith.constant 1 : i32
    %while3A_266 = scf.for %while3A_522 = %while3A_258 to %while3A_264 step %while3A_265 iter_args(%while3A_523 = %broadcast_in_dim3A_257) -> (vector<16xi32>)  : i32 {
      %mul3A_524 = arith.constant 16 : i32
      %mul3A_525 = arith.muli %mul3A_524, %while3A_522 : i32
      %get3A_526 = arith.index_cast %mul3A_525 : i32 to index
      %get3A_527 = tpu.vector_load %arg7[%get3A_526] {strides = array<i32>} : memref<1024xf32, #tpu.memory_space<vmem>>, vector<16xf32>,
      %get3A_528 = vector.shape_cast %get3A_527 : vector<16xf32> to vector<16xf32>
      %slice3A_529 = vector.extract_strided_slice %get3A_528 {offsets = [0], sizes = [1], strides = [1]} : vector<16xf32> to vector<1xf32>
      %squeeze3A_530 = vector.extract %slice3A_529[0] : f32 from vector<1xf32>
      %broadcast_in_dim3A_531 = vector.broadcast %squeeze3A_530 : f32 to vector<16xf32>
      %ge3A = arith.cmpf oge, %broadcast_in_dim3A_531, %get3A_251 : vector<16xf32>
      %select_n3A_532 = arith.select %ge3A, %broadcast_in_dim3A_3, %broadcast_in_dim3A_5 : vector<16xi1>, vector<16xi32>
      %add3A_533 = arith.addi %while3A_523, %select_n3A_532 : vector<16xi32>
      %slice3A_534 = vector.extract_strided_slice %get3A_528 {offsets = [1], sizes = [1], strides = [1]} : vector<16xf32> to vector<1xf32>
      %squeeze3A_535 = vector.extract %slice3A_534[0] : f32 from vector<1xf32>
      %broadcast_in_dim3A_536 = vector.broadcast %squeeze3A_535 : f32 to vector<16xf32>
      %ge3A_537 = arith.cmpf oge, %broadcast_in_dim3A_536, %get3A_251 : vector<16xf32>
      %select_n3A_538 = arith.select %ge3A_537, %broadcast_in_dim3A_3, %broadcast_in_dim3A_5 : vector<16xi1>, vector<16xi32>
      %add3A_539 = arith.addi %add3A_533, %select_n3A_538 : vector<16xi32>
      %slice3A_540 = vector.extract_strided_slice %get3A_528 {offsets = [2], sizes = [1], strides = [1]} : vector<16xf32> to vector<1xf32>
      %squeeze3A_541 = vector.extract %slice3A_540[0] : f32 from vector<1xf32>
      %broadcast_in_dim3A_542 = vector.broadcast %squeeze3A_541 : f32 to vector<16xf32>
      %ge3A_543 = arith.cmpf oge, %broadcast_in_dim3A_542, %get3A_251 : vector<16xf32>
      %select_n3A_544 = arith.select %ge3A_543, %broadcast_in_dim3A_3, %broadcast_in_dim3A_5 : vector<16xi1>, vector<16xi32>
      %add3A_545 = arith.addi %add3A_539, %select_n3A_544 : vector<16xi32>
      %slice3A_546 = vector.extract_strided_slice %get3A_528 {offsets = [3], sizes = [1], strides = [1]} : vector<16xf32> to vector<1xf32>
      %squeeze3A_547 = vector.extract %slice3A_546[0] : f32 from vector<1xf32>
      %broadcast_in_dim3A_548 = vector.broadcast %squeeze3A_547 : f32 to vector<16xf32>
      %ge3A_549 = arith.cmpf oge, %broadcast_in_dim3A_548, %get3A_251 : vector<16xf32>
      %select_n3A_550 = arith.select %ge3A_549, %broadcast_in_dim3A_3, %broadcast_in_dim3A_5 : vector<16xi1>, vector<16xi32>
      %add3A_551 = arith.addi %add3A_545, %select_n3A_550 : vector<16xi32>
      %slice3A_552 = vector.extract_strided_slice %get3A_528 {offsets = [4], sizes = [1], strides = [1]} : vector<16xf32> to vector<1xf32>
      %squeeze3A_553 = vector.extract %slice3A_552[0] : f32 from vector<1xf32>
      %broadcast_in_dim3A_554 = vector.broadcast %squeeze3A_553 : f32 to vector<16xf32>
      %ge3A_555 = arith.cmpf oge, %broadcast_in_dim3A_554, %get3A_251 : vector<16xf32>
      %select_n3A_556 = arith.select %ge3A_555, %broadcast_in_dim3A_3, %broadcast_in_dim3A_5 : vector<16xi1>, vector<16xi32>
      %add3A_557 = arith.addi %add3A_551, %select_n3A_556 : vector<16xi32>
      %slice3A_558 = vector.extract_strided_slice %get3A_528 {offsets = [5], sizes = [1], strides = [1]} : vector<16xf32> to vector<1xf32>
      %squeeze3A_559 = vector.extract %slice3A_558[0] : f32 from vector<1xf32>
      %broadcast_in_dim3A_560 = vector.broadcast %squeeze3A_559 : f32 to vector<16xf32>
      %ge3A_561 = arith.cmpf oge, %broadcast_in_dim3A_560, %get3A_251 : vector<16xf32>
      %select_n3A_562 = arith.select %ge3A_561, %broadcast_in_dim3A_3, %broadcast_in_dim3A_5 : vector<16xi1>, vector<16xi32>
      %add3A_563 = arith.addi %add3A_557, %select_n3A_562 : vector<16xi32>
      %slice3A_564 = vector.extract_strided_slice %get3A_528 {offsets = [6], sizes = [1], strides = [1]} : vector<16xf32> to vector<1xf32>
      %squeeze3A_565 = vector.extract %slice3A_564[0] : f32 from vector<1xf32>
      %broadcast_in_dim3A_566 = vector.broadcast %squeeze3A_565 : f32 to vector<16xf32>
      %ge3A_567 = arith.cmpf oge, %broadcast_in_dim3A_566, %get3A_251 : vector<16xf32>
      %select_n3A_568 = arith.select %ge3A_567, %broadcast_in_dim3A_3, %broadcast_in_dim3A_5 : vector<16xi1>, vector<16xi32>
      %add3A_569 = arith.addi %add3A_563, %select_n3A_568 : vector<16xi32>
      %slice3A_570 = vector.extract_strided_slice %get3A_528 {offsets = [7], sizes = [1], strides = [1]} : vector<16xf32> to vector<1xf32>
      %squeeze3A_571 = vector.extract %slice3A_570[0] : f32 from vector<1xf32>
      %broadcast_in_dim3A_572 = vector.broadcast %squeeze3A_571 : f32 to vector<16xf32>
      %ge3A_573 = arith.cmpf oge, %broadcast_in_dim3A_572, %get3A_251 : vector<16xf32>
      %select_n3A_574 = arith.select %ge3A_573, %broadcast_in_dim3A_3, %broadcast_in_dim3A_5 : vector<16xi1>, vector<16xi32>
      %add3A_575 = arith.addi %add3A_569, %select_n3A_574 : vector<16xi32>
      %slice3A_576 = vector.extract_strided_slice %get3A_528 {offsets = [8], sizes = [1], strides = [1]} : vector<16xf32> to vector<1xf32>
      %squeeze3A_577 = vector.extract %slice3A_576[0] : f32 from vector<1xf32>
      %broadcast_in_dim3A_578 = vector.broadcast %squeeze3A_577 : f32 to vector<16xf32>
      %ge3A_579 = arith.cmpf oge, %broadcast_in_dim3A_578, %get3A_251 : vector<16xf32>
      %select_n3A_580 = arith.select %ge3A_579, %broadcast_in_dim3A_3, %broadcast_in_dim3A_5 : vector<16xi1>, vector<16xi32>
      %add3A_581 = arith.addi %add3A_575, %select_n3A_580 : vector<16xi32>
      %slice3A_582 = vector.extract_strided_slice %get3A_528 {offsets = [9], sizes = [1], strides = [1]} : vector<16xf32> to vector<1xf32>
      %squeeze3A_583 = vector.extract %slice3A_582[0] : f32 from vector<1xf32>
      %broadcast_in_dim3A_584 = vector.broadcast %squeeze3A_583 : f32 to vector<16xf32>
      %ge3A_585 = arith.cmpf oge, %broadcast_in_dim3A_584, %get3A_251 : vector<16xf32>
      %select_n3A_586 = arith.select %ge3A_585, %broadcast_in_dim3A_3, %broadcast_in_dim3A_5 : vector<16xi1>, vector<16xi32>
      %add3A_587 = arith.addi %add3A_581, %select_n3A_586 : vector<16xi32>
      %slice3A_588 = vector.extract_strided_slice %get3A_528 {offsets = [10], sizes = [1], strides = [1]} : vector<16xf32> to vector<1xf32>
      %squeeze3A_589 = vector.extract %slice3A_588[0] : f32 from vector<1xf32>
      %broadcast_in_dim3A_590 = vector.broadcast %squeeze3A_589 : f32 to vector<16xf32>
      %ge3A_591 = arith.cmpf oge, %broadcast_in_dim3A_590, %get3A_251 : vector<16xf32>
      %select_n3A_592 = arith.select %ge3A_591, %broadcast_in_dim3A_3, %broadcast_in_dim3A_5 : vector<16xi1>, vector<16xi32>
      %add3A_593 = arith.addi %add3A_587, %select_n3A_592 : vector<16xi32>
      %slice3A_594 = vector.extract_strided_slice %get3A_528 {offsets = [11], sizes = [1], strides = [1]} : vector<16xf32> to vector<1xf32>
      %squeeze3A_595 = vector.extract %slice3A_594[0] : f32 from vector<1xf32>
      %broadcast_in_dim3A_596 = vector.broadcast %squeeze3A_595 : f32 to vector<16xf32>
      %ge3A_597 = arith.cmpf oge, %broadcast_in_dim3A_596, %get3A_251 : vector<16xf32>
      %select_n3A_598 = arith.select %ge3A_597, %broadcast_in_dim3A_3, %broadcast_in_dim3A_5 : vector<16xi1>, vector<16xi32>
      %add3A_599 = arith.addi %add3A_593, %select_n3A_598 : vector<16xi32>
      %slice3A_600 = vector.extract_strided_slice %get3A_528 {offsets = [12], sizes = [1], strides = [1]} : vector<16xf32> to vector<1xf32>
      %squeeze3A_601 = vector.extract %slice3A_600[0] : f32 from vector<1xf32>
      %broadcast_in_dim3A_602 = vector.broadcast %squeeze3A_601 : f32 to vector<16xf32>
      %ge3A_603 = arith.cmpf oge, %broadcast_in_dim3A_602, %get3A_251 : vector<16xf32>
      %select_n3A_604 = arith.select %ge3A_603, %broadcast_in_dim3A_3, %broadcast_in_dim3A_5 : vector<16xi1>, vector<16xi32>
      %add3A_605 = arith.addi %add3A_599, %select_n3A_604 : vector<16xi32>
      %slice3A_606 = vector.extract_strided_slice %get3A_528 {offsets = [13], sizes = [1], strides = [1]} : vector<16xf32> to vector<1xf32>
      %squeeze3A_607 = vector.extract %slice3A_606[0] : f32 from vector<1xf32>
      %broadcast_in_dim3A_608 = vector.broadcast %squeeze3A_607 : f32 to vector<16xf32>
      %ge3A_609 = arith.cmpf oge, %broadcast_in_dim3A_608, %get3A_251 : vector<16xf32>
      %select_n3A_610 = arith.select %ge3A_609, %broadcast_in_dim3A_3, %broadcast_in_dim3A_5 : vector<16xi1>, vector<16xi32>
      %add3A_611 = arith.addi %add3A_605, %select_n3A_610 : vector<16xi32>
      %slice3A_612 = vector.extract_strided_slice %get3A_528 {offsets = [14], sizes = [1], strides = [1]} : vector<16xf32> to vector<1xf32>
      %squeeze3A_613 = vector.extract %slice3A_612[0] : f32 from vector<1xf32>
      %broadcast_in_dim3A_614 = vector.broadcast %squeeze3A_613 : f32 to vector<16xf32>
      %ge3A_615 = arith.cmpf oge, %broadcast_in_dim3A_614, %get3A_251 : vector<16xf32>
      %select_n3A_616 = arith.select %ge3A_615, %broadcast_in_dim3A_3, %broadcast_in_dim3A_5 : vector<16xi1>, vector<16xi32>
      %add3A_617 = arith.addi %add3A_611, %select_n3A_616 : vector<16xi32>
      %slice3A_618 = vector.extract_strided_slice %get3A_528 {offsets = [15], sizes = [1], strides = [1]} : vector<16xf32> to vector<1xf32>
      %squeeze3A_619 = vector.extract %slice3A_618[0] : f32 from vector<1xf32>
      %broadcast_in_dim3A_620 = vector.broadcast %squeeze3A_619 : f32 to vector<16xf32>
      %ge3A_621 = arith.cmpf oge, %broadcast_in_dim3A_620, %get3A_251 : vector<16xf32>
      %select_n3A_622 = arith.select %ge3A_621, %broadcast_in_dim3A_3, %broadcast_in_dim3A_5 : vector<16xi1>, vector<16xi32>
      %add3A_623 = arith.addi %add3A_617, %select_n3A_622 : vector<16xi32>
      scf.yield %add3A_623 : vector<16xi32>
    }
    %while3A_267 = arith.constant 1 : i32
    %while3A_268 = scf.for %while3A_522 = %while3A_264 to %while3A_260 step %while3A_267 iter_args(%while3A_523 = %while3A_266) -> (vector<16xi32>)  : i32 {
      %mul3A_524 = arith.constant 16 : i32
      %mul3A_525 = arith.muli %mul3A_524, %while3A_522 : i32
      %get3A_526 = arith.index_cast %mul3A_525 : i32 to index
      %get3A_527 = tpu.vector_load %arg7[%get3A_526] {strides = array<i32>} : memref<1024xf32, #tpu.memory_space<vmem>>, vector<16xf32>,
      %get3A_528 = vector.shape_cast %get3A_527 : vector<16xf32> to vector<16xf32>
      %slice3A_529 = vector.extract_strided_slice %get3A_528 {offsets = [0], sizes = [1], strides = [1]} : vector<16xf32> to vector<1xf32>
      %squeeze3A_530 = vector.extract %slice3A_529[0] : f32 from vector<1xf32>
      %broadcast_in_dim3A_531 = vector.broadcast %squeeze3A_530 : f32 to vector<16xf32>
      %ge3A = arith.cmpf oge, %broadcast_in_dim3A_531, %get3A_251 : vector<16xf32>
      %select_n3A_532 = arith.select %ge3A, %broadcast_in_dim3A_3, %broadcast_in_dim3A_5 : vector<16xi1>, vector<16xi32>
      %add3A_533 = arith.addi %while3A_523, %select_n3A_532 : vector<16xi32>
      %slice3A_534 = vector.extract_strided_slice %get3A_528 {offsets = [1], sizes = [1], strides = [1]} : vector<16xf32> to vector<1xf32>
      %squeeze3A_535 = vector.extract %slice3A_534[0] : f32 from vector<1xf32>
      %broadcast_in_dim3A_536 = vector.broadcast %squeeze3A_535 : f32 to vector<16xf32>
      %ge3A_537 = arith.cmpf oge, %broadcast_in_dim3A_536, %get3A_251 : vector<16xf32>
      %select_n3A_538 = arith.select %ge3A_537, %broadcast_in_dim3A_3, %broadcast_in_dim3A_5 : vector<16xi1>, vector<16xi32>
      %add3A_539 = arith.addi %add3A_533, %select_n3A_538 : vector<16xi32>
      %slice3A_540 = vector.extract_strided_slice %get3A_528 {offsets = [2], sizes = [1], strides = [1]} : vector<16xf32> to vector<1xf32>
      %squeeze3A_541 = vector.extract %slice3A_540[0] : f32 from vector<1xf32>
      %broadcast_in_dim3A_542 = vector.broadcast %squeeze3A_541 : f32 to vector<16xf32>
      %ge3A_543 = arith.cmpf oge, %broadcast_in_dim3A_542, %get3A_251 : vector<16xf32>
      %select_n3A_544 = arith.select %ge3A_543, %broadcast_in_dim3A_3, %broadcast_in_dim3A_5 : vector<16xi1>, vector<16xi32>
      %add3A_545 = arith.addi %add3A_539, %select_n3A_544 : vector<16xi32>
      %slice3A_546 = vector.extract_strided_slice %get3A_528 {offsets = [3], sizes = [1], strides = [1]} : vector<16xf32> to vector<1xf32>
      %squeeze3A_547 = vector.extract %slice3A_546[0] : f32 from vector<1xf32>
      %broadcast_in_dim3A_548 = vector.broadcast %squeeze3A_547 : f32 to vector<16xf32>
      %ge3A_549 = arith.cmpf oge, %broadcast_in_dim3A_548, %get3A_251 : vector<16xf32>
      %select_n3A_550 = arith.select %ge3A_549, %broadcast_in_dim3A_3, %broadcast_in_dim3A_5 : vector<16xi1>, vector<16xi32>
      %add3A_551 = arith.addi %add3A_545, %select_n3A_550 : vector<16xi32>
      %slice3A_552 = vector.extract_strided_slice %get3A_528 {offsets = [4], sizes = [1], strides = [1]} : vector<16xf32> to vector<1xf32>
      %squeeze3A_553 = vector.extract %slice3A_552[0] : f32 from vector<1xf32>
      %broadcast_in_dim3A_554 = vector.broadcast %squeeze3A_553 : f32 to vector<16xf32>
      %ge3A_555 = arith.cmpf oge, %broadcast_in_dim3A_554, %get3A_251 : vector<16xf32>
      %select_n3A_556 = arith.select %ge3A_555, %broadcast_in_dim3A_3, %broadcast_in_dim3A_5 : vector<16xi1>, vector<16xi32>
      %add3A_557 = arith.addi %add3A_551, %select_n3A_556 : vector<16xi32>
      %slice3A_558 = vector.extract_strided_slice %get3A_528 {offsets = [5], sizes = [1], strides = [1]} : vector<16xf32> to vector<1xf32>
      %squeeze3A_559 = vector.extract %slice3A_558[0] : f32 from vector<1xf32>
      %broadcast_in_dim3A_560 = vector.broadcast %squeeze3A_559 : f32 to vector<16xf32>
      %ge3A_561 = arith.cmpf oge, %broadcast_in_dim3A_560, %get3A_251 : vector<16xf32>
      %select_n3A_562 = arith.select %ge3A_561, %broadcast_in_dim3A_3, %broadcast_in_dim3A_5 : vector<16xi1>, vector<16xi32>
      %add3A_563 = arith.addi %add3A_557, %select_n3A_562 : vector<16xi32>
      %slice3A_564 = vector.extract_strided_slice %get3A_528 {offsets = [6], sizes = [1], strides = [1]} : vector<16xf32> to vector<1xf32>
      %squeeze3A_565 = vector.extract %slice3A_564[0] : f32 from vector<1xf32>
      %broadcast_in_dim3A_566 = vector.broadcast %squeeze3A_565 : f32 to vector<16xf32>
      %ge3A_567 = arith.cmpf oge, %broadcast_in_dim3A_566, %get3A_251 : vector<16xf32>
      %select_n3A_568 = arith.select %ge3A_567, %broadcast_in_dim3A_3, %broadcast_in_dim3A_5 : vector<16xi1>, vector<16xi32>
      %add3A_569 = arith.addi %add3A_563, %select_n3A_568 : vector<16xi32>
      %slice3A_570 = vector.extract_strided_slice %get3A_528 {offsets = [7], sizes = [1], strides = [1]} : vector<16xf32> to vector<1xf32>
      %squeeze3A_571 = vector.extract %slice3A_570[0] : f32 from vector<1xf32>
      %broadcast_in_dim3A_572 = vector.broadcast %squeeze3A_571 : f32 to vector<16xf32>
      %ge3A_573 = arith.cmpf oge, %broadcast_in_dim3A_572, %get3A_251 : vector<16xf32>
      %select_n3A_574 = arith.select %ge3A_573, %broadcast_in_dim3A_3, %broadcast_in_dim3A_5 : vector<16xi1>, vector<16xi32>
      %add3A_575 = arith.addi %add3A_569, %select_n3A_574 : vector<16xi32>
      %slice3A_576 = vector.extract_strided_slice %get3A_528 {offsets = [8], sizes = [1], strides = [1]} : vector<16xf32> to vector<1xf32>
      %squeeze3A_577 = vector.extract %slice3A_576[0] : f32 from vector<1xf32>
      %broadcast_in_dim3A_578 = vector.broadcast %squeeze3A_577 : f32 to vector<16xf32>
      %ge3A_579 = arith.cmpf oge, %broadcast_in_dim3A_578, %get3A_251 : vector<16xf32>
      %select_n3A_580 = arith.select %ge3A_579, %broadcast_in_dim3A_3, %broadcast_in_dim3A_5 : vector<16xi1>, vector<16xi32>
      %add3A_581 = arith.addi %add3A_575, %select_n3A_580 : vector<16xi32>
      %slice3A_582 = vector.extract_strided_slice %get3A_528 {offsets = [9], sizes = [1], strides = [1]} : vector<16xf32> to vector<1xf32>
      %squeeze3A_583 = vector.extract %slice3A_582[0] : f32 from vector<1xf32>
      %broadcast_in_dim3A_584 = vector.broadcast %squeeze3A_583 : f32 to vector<16xf32>
      %ge3A_585 = arith.cmpf oge, %broadcast_in_dim3A_584, %get3A_251 : vector<16xf32>
      %select_n3A_586 = arith.select %ge3A_585, %broadcast_in_dim3A_3, %broadcast_in_dim3A_5 : vector<16xi1>, vector<16xi32>
      %add3A_587 = arith.addi %add3A_581, %select_n3A_586 : vector<16xi32>
      %slice3A_588 = vector.extract_strided_slice %get3A_528 {offsets = [10], sizes = [1], strides = [1]} : vector<16xf32> to vector<1xf32>
      %squeeze3A_589 = vector.extract %slice3A_588[0] : f32 from vector<1xf32>
      %broadcast_in_dim3A_590 = vector.broadcast %squeeze3A_589 : f32 to vector<16xf32>
      %ge3A_591 = arith.cmpf oge, %broadcast_in_dim3A_590, %get3A_251 : vector<16xf32>
      %select_n3A_592 = arith.select %ge3A_591, %broadcast_in_dim3A_3, %broadcast_in_dim3A_5 : vector<16xi1>, vector<16xi32>
      %add3A_593 = arith.addi %add3A_587, %select_n3A_592 : vector<16xi32>
      %slice3A_594 = vector.extract_strided_slice %get3A_528 {offsets = [11], sizes = [1], strides = [1]} : vector<16xf32> to vector<1xf32>
      %squeeze3A_595 = vector.extract %slice3A_594[0] : f32 from vector<1xf32>
      %broadcast_in_dim3A_596 = vector.broadcast %squeeze3A_595 : f32 to vector<16xf32>
      %ge3A_597 = arith.cmpf oge, %broadcast_in_dim3A_596, %get3A_251 : vector<16xf32>
      %select_n3A_598 = arith.select %ge3A_597, %broadcast_in_dim3A_3, %broadcast_in_dim3A_5 : vector<16xi1>, vector<16xi32>
      %add3A_599 = arith.addi %add3A_593, %select_n3A_598 : vector<16xi32>
      %slice3A_600 = vector.extract_strided_slice %get3A_528 {offsets = [12], sizes = [1], strides = [1]} : vector<16xf32> to vector<1xf32>
      %squeeze3A_601 = vector.extract %slice3A_600[0] : f32 from vector<1xf32>
      %broadcast_in_dim3A_602 = vector.broadcast %squeeze3A_601 : f32 to vector<16xf32>
      %ge3A_603 = arith.cmpf oge, %broadcast_in_dim3A_602, %get3A_251 : vector<16xf32>
      %select_n3A_604 = arith.select %ge3A_603, %broadcast_in_dim3A_3, %broadcast_in_dim3A_5 : vector<16xi1>, vector<16xi32>
      %add3A_605 = arith.addi %add3A_599, %select_n3A_604 : vector<16xi32>
      %slice3A_606 = vector.extract_strided_slice %get3A_528 {offsets = [13], sizes = [1], strides = [1]} : vector<16xf32> to vector<1xf32>
      %squeeze3A_607 = vector.extract %slice3A_606[0] : f32 from vector<1xf32>
      %broadcast_in_dim3A_608 = vector.broadcast %squeeze3A_607 : f32 to vector<16xf32>
      %ge3A_609 = arith.cmpf oge, %broadcast_in_dim3A_608, %get3A_251 : vector<16xf32>
      %select_n3A_610 = arith.select %ge3A_609, %broadcast_in_dim3A_3, %broadcast_in_dim3A_5 : vector<16xi1>, vector<16xi32>
      %add3A_611 = arith.addi %add3A_605, %select_n3A_610 : vector<16xi32>
      %slice3A_612 = vector.extract_strided_slice %get3A_528 {offsets = [14], sizes = [1], strides = [1]} : vector<16xf32> to vector<1xf32>
      %squeeze3A_613 = vector.extract %slice3A_612[0] : f32 from vector<1xf32>
      %broadcast_in_dim3A_614 = vector.broadcast %squeeze3A_613 : f32 to vector<16xf32>
      %ge3A_615 = arith.cmpf oge, %broadcast_in_dim3A_614, %get3A_251 : vector<16xf32>
      %select_n3A_616 = arith.select %ge3A_615, %broadcast_in_dim3A_3, %broadcast_in_dim3A_5 : vector<16xi1>, vector<16xi32>
      %add3A_617 = arith.addi %add3A_611, %select_n3A_616 : vector<16xi32>
      %slice3A_618 = vector.extract_strided_slice %get3A_528 {offsets = [15], sizes = [1], strides = [1]} : vector<16xf32> to vector<1xf32>
      %squeeze3A_619 = vector.extract %slice3A_618[0] : f32 from vector<1xf32>
      %broadcast_in_dim3A_620 = vector.broadcast %squeeze3A_619 : f32 to vector<16xf32>
      %ge3A_621 = arith.cmpf oge, %broadcast_in_dim3A_620, %get3A_251 : vector<16xf32>
      %select_n3A_622 = arith.select %ge3A_621, %broadcast_in_dim3A_3, %broadcast_in_dim3A_5 : vector<16xi1>, vector<16xi32>
      %add3A_623 = arith.addi %add3A_617, %select_n3A_622 : vector<16xi32>
      scf.yield %add3A_623 : vector<16xi32>
    }
    %get3A_269 = arith.index_cast %add3A_248 : i32 to index
    %get3A_270 = tpu.vector_load %arg7[%get3A_269] {strides = array<i32>} : memref<1024xf32, #tpu.memory_space<vmem>>, vector<16xf32>,
    %get3A_271 = vector.shape_cast %get3A_270 : vector<16xf32> to vector<16xf32>
    %slice3A_272 = vector.extract_strided_slice %get3A_271 {offsets = [0], sizes = [1], strides = [1]} : vector<16xf32> to vector<1xf32>
    %squeeze3A_273 = vector.extract %slice3A_272[0] : f32 from vector<1xf32>
    %broadcast_in_dim3A_274 = vector.broadcast %squeeze3A_273 : f32 to vector<16xf32>
    %gt3A_275 = arith.cmpf ogt, %broadcast_in_dim3A_274, %get3A_251 : vector<16xf32>
    %eq3A_276 = arith.cmpf oeq, %broadcast_in_dim3A_274, %get3A_251 : vector<16xf32>
    %gt3A_277 = arith.constant 0 : i32
    %gt3A_278 = vector.broadcast %gt3A_277 : i32 to vector<16xi32>
    %gt3A_279 = arith.cmpi sgt, %iota3A, %gt3A_278 : vector<16xi32>
    %and3A_280 = arith.andi %eq3A_276, %gt3A_279 : vector<16xi1>
    %or3A_281 = arith.ori %gt3A_275, %and3A_280 : vector<16xi1>
    %select_n3A_282 = arith.select %or3A_281, %broadcast_in_dim3A_3, %broadcast_in_dim3A_5 : vector<16xi1>, vector<16xi32>
    %add3A_283 = arith.addi %while3A_268, %select_n3A_282 : vector<16xi32>
    %slice3A_284 = vector.extract_strided_slice %get3A_271 {offsets = [1], sizes = [1], strides = [1]} : vector<16xf32> to vector<1xf32>
    %squeeze3A_285 = vector.extract %slice3A_284[0] : f32 from vector<1xf32>
    %broadcast_in_dim3A_286 = vector.broadcast %squeeze3A_285 : f32 to vector<16xf32>
    %gt3A_287 = arith.cmpf ogt, %broadcast_in_dim3A_286, %get3A_251 : vector<16xf32>
    %eq3A_288 = arith.cmpf oeq, %broadcast_in_dim3A_286, %get3A_251 : vector<16xf32>
    %gt3A_289 = arith.constant 1 : i32
    %gt3A_290 = vector.broadcast %gt3A_289 : i32 to vector<16xi32>
    %gt3A_291 = arith.cmpi sgt, %iota3A, %gt3A_290 : vector<16xi32>
    %and3A_292 = arith.andi %eq3A_288, %gt3A_291 : vector<16xi1>
    %or3A_293 = arith.ori %gt3A_287, %and3A_292 : vector<16xi1>
    %select_n3A_294 = arith.select %or3A_293, %broadcast_in_dim3A_3, %broadcast_in_dim3A_5 : vector<16xi1>, vector<16xi32>
    %add3A_295 = arith.addi %add3A_283, %select_n3A_294 : vector<16xi32>
    %slice3A_296 = vector.extract_strided_slice %get3A_271 {offsets = [2], sizes = [1], strides = [1]} : vector<16xf32> to vector<1xf32>
    %squeeze3A_297 = vector.extract %slice3A_296[0] : f32 from vector<1xf32>
    %broadcast_in_dim3A_298 = vector.broadcast %squeeze3A_297 : f32 to vector<16xf32>
    %gt3A_299 = arith.cmpf ogt, %broadcast_in_dim3A_298, %get3A_251 : vector<16xf32>
    %eq3A_300 = arith.cmpf oeq, %broadcast_in_dim3A_298, %get3A_251 : vector<16xf32>
    %gt3A_301 = arith.constant 2 : i32
    %gt3A_302 = vector.broadcast %gt3A_301 : i32 to vector<16xi32>
    %gt3A_303 = arith.cmpi sgt, %iota3A, %gt3A_302 : vector<16xi32>
    %and3A_304 = arith.andi %eq3A_300, %gt3A_303 : vector<16xi1>
    %or3A_305 = arith.ori %gt3A_299, %and3A_304 : vector<16xi1>
    %select_n3A_306 = arith.select %or3A_305, %broadcast_in_dim3A_3, %broadcast_in_dim3A_5 : vector<16xi1>, vector<16xi32>
    %add3A_307 = arith.addi %add3A_295, %select_n3A_306 : vector<16xi32>
    %slice3A_308 = vector.extract_strided_slice %get3A_271 {offsets = [3], sizes = [1], strides = [1]} : vector<16xf32> to vector<1xf32>
    %squeeze3A_309 = vector.extract %slice3A_308[0] : f32 from vector<1xf32>
    %broadcast_in_dim3A_310 = vector.broadcast %squeeze3A_309 : f32 to vector<16xf32>
    %gt3A_311 = arith.cmpf ogt, %broadcast_in_dim3A_310, %get3A_251 : vector<16xf32>
    %eq3A_312 = arith.cmpf oeq, %broadcast_in_dim3A_310, %get3A_251 : vector<16xf32>
    %gt3A_313 = arith.constant 3 : i32
    %gt3A_314 = vector.broadcast %gt3A_313 : i32 to vector<16xi32>
    %gt3A_315 = arith.cmpi sgt, %iota3A, %gt3A_314 : vector<16xi32>
    %and3A_316 = arith.andi %eq3A_312, %gt3A_315 : vector<16xi1>
    %or3A_317 = arith.ori %gt3A_311, %and3A_316 : vector<16xi1>
    %select_n3A_318 = arith.select %or3A_317, %broadcast_in_dim3A_3, %broadcast_in_dim3A_5 : vector<16xi1>, vector<16xi32>
    %add3A_319 = arith.addi %add3A_307, %select_n3A_318 : vector<16xi32>
    %slice3A_320 = vector.extract_strided_slice %get3A_271 {offsets = [4], sizes = [1], strides = [1]} : vector<16xf32> to vector<1xf32>
    %squeeze3A_321 = vector.extract %slice3A_320[0] : f32 from vector<1xf32>
    %broadcast_in_dim3A_322 = vector.broadcast %squeeze3A_321 : f32 to vector<16xf32>
    %gt3A_323 = arith.cmpf ogt, %broadcast_in_dim3A_322, %get3A_251 : vector<16xf32>
    %eq3A_324 = arith.cmpf oeq, %broadcast_in_dim3A_322, %get3A_251 : vector<16xf32>
    %gt3A_325 = arith.constant 4 : i32
    %gt3A_326 = vector.broadcast %gt3A_325 : i32 to vector<16xi32>
    %gt3A_327 = arith.cmpi sgt, %iota3A, %gt3A_326 : vector<16xi32>
    %and3A_328 = arith.andi %eq3A_324, %gt3A_327 : vector<16xi1>
    %or3A_329 = arith.ori %gt3A_323, %and3A_328 : vector<16xi1>
    %select_n3A_330 = arith.select %or3A_329, %broadcast_in_dim3A_3, %broadcast_in_dim3A_5 : vector<16xi1>, vector<16xi32>
    %add3A_331 = arith.addi %add3A_319, %select_n3A_330 : vector<16xi32>
    %slice3A_332 = vector.extract_strided_slice %get3A_271 {offsets = [5], sizes = [1], strides = [1]} : vector<16xf32> to vector<1xf32>
    %squeeze3A_333 = vector.extract %slice3A_332[0] : f32 from vector<1xf32>
    %broadcast_in_dim3A_334 = vector.broadcast %squeeze3A_333 : f32 to vector<16xf32>
    %gt3A_335 = arith.cmpf ogt, %broadcast_in_dim3A_334, %get3A_251 : vector<16xf32>
    %eq3A_336 = arith.cmpf oeq, %broadcast_in_dim3A_334, %get3A_251 : vector<16xf32>
    %gt3A_337 = arith.constant 5 : i32
    %gt3A_338 = vector.broadcast %gt3A_337 : i32 to vector<16xi32>
    %gt3A_339 = arith.cmpi sgt, %iota3A, %gt3A_338 : vector<16xi32>
    %and3A_340 = arith.andi %eq3A_336, %gt3A_339 : vector<16xi1>
    %or3A_341 = arith.ori %gt3A_335, %and3A_340 : vector<16xi1>
    %select_n3A_342 = arith.select %or3A_341, %broadcast_in_dim3A_3, %broadcast_in_dim3A_5 : vector<16xi1>, vector<16xi32>
    %add3A_343 = arith.addi %add3A_331, %select_n3A_342 : vector<16xi32>
    %slice3A_344 = vector.extract_strided_slice %get3A_271 {offsets = [6], sizes = [1], strides = [1]} : vector<16xf32> to vector<1xf32>
    %squeeze3A_345 = vector.extract %slice3A_344[0] : f32 from vector<1xf32>
    %broadcast_in_dim3A_346 = vector.broadcast %squeeze3A_345 : f32 to vector<16xf32>
    %gt3A_347 = arith.cmpf ogt, %broadcast_in_dim3A_346, %get3A_251 : vector<16xf32>
    %eq3A_348 = arith.cmpf oeq, %broadcast_in_dim3A_346, %get3A_251 : vector<16xf32>
    %gt3A_349 = arith.constant 6 : i32
    %gt3A_350 = vector.broadcast %gt3A_349 : i32 to vector<16xi32>
    %gt3A_351 = arith.cmpi sgt, %iota3A, %gt3A_350 : vector<16xi32>
    %and3A_352 = arith.andi %eq3A_348, %gt3A_351 : vector<16xi1>
    %or3A_353 = arith.ori %gt3A_347, %and3A_352 : vector<16xi1>
    %select_n3A_354 = arith.select %or3A_353, %broadcast_in_dim3A_3, %broadcast_in_dim3A_5 : vector<16xi1>, vector<16xi32>
    %add3A_355 = arith.addi %add3A_343, %select_n3A_354 : vector<16xi32>
    %slice3A_356 = vector.extract_strided_slice %get3A_271 {offsets = [7], sizes = [1], strides = [1]} : vector<16xf32> to vector<1xf32>
    %squeeze3A_357 = vector.extract %slice3A_356[0] : f32 from vector<1xf32>
    %broadcast_in_dim3A_358 = vector.broadcast %squeeze3A_357 : f32 to vector<16xf32>
    %gt3A_359 = arith.cmpf ogt, %broadcast_in_dim3A_358, %get3A_251 : vector<16xf32>
    %eq3A_360 = arith.cmpf oeq, %broadcast_in_dim3A_358, %get3A_251 : vector<16xf32>
    %gt3A_361 = arith.constant 7 : i32
    %gt3A_362 = vector.broadcast %gt3A_361 : i32 to vector<16xi32>
    %gt3A_363 = arith.cmpi sgt, %iota3A, %gt3A_362 : vector<16xi32>
    %and3A_364 = arith.andi %eq3A_360, %gt3A_363 : vector<16xi1>
    %or3A_365 = arith.ori %gt3A_359, %and3A_364 : vector<16xi1>
    %select_n3A_366 = arith.select %or3A_365, %broadcast_in_dim3A_3, %broadcast_in_dim3A_5 : vector<16xi1>, vector<16xi32>
    %add3A_367 = arith.addi %add3A_355, %select_n3A_366 : vector<16xi32>
    %slice3A_368 = vector.extract_strided_slice %get3A_271 {offsets = [8], sizes = [1], strides = [1]} : vector<16xf32> to vector<1xf32>
    %squeeze3A_369 = vector.extract %slice3A_368[0] : f32 from vector<1xf32>
    %broadcast_in_dim3A_370 = vector.broadcast %squeeze3A_369 : f32 to vector<16xf32>
    %gt3A_371 = arith.cmpf ogt, %broadcast_in_dim3A_370, %get3A_251 : vector<16xf32>
    %eq3A_372 = arith.cmpf oeq, %broadcast_in_dim3A_370, %get3A_251 : vector<16xf32>
    %gt3A_373 = arith.constant 8 : i32
    %gt3A_374 = vector.broadcast %gt3A_373 : i32 to vector<16xi32>
    %gt3A_375 = arith.cmpi sgt, %iota3A, %gt3A_374 : vector<16xi32>
    %and3A_376 = arith.andi %eq3A_372, %gt3A_375 : vector<16xi1>
    %or3A_377 = arith.ori %gt3A_371, %and3A_376 : vector<16xi1>
    %select_n3A_378 = arith.select %or3A_377, %broadcast_in_dim3A_3, %broadcast_in_dim3A_5 : vector<16xi1>, vector<16xi32>
    %add3A_379 = arith.addi %add3A_367, %select_n3A_378 : vector<16xi32>
    %slice3A_380 = vector.extract_strided_slice %get3A_271 {offsets = [9], sizes = [1], strides = [1]} : vector<16xf32> to vector<1xf32>
    %squeeze3A_381 = vector.extract %slice3A_380[0] : f32 from vector<1xf32>
    %broadcast_in_dim3A_382 = vector.broadcast %squeeze3A_381 : f32 to vector<16xf32>
    %gt3A_383 = arith.cmpf ogt, %broadcast_in_dim3A_382, %get3A_251 : vector<16xf32>
    %eq3A_384 = arith.cmpf oeq, %broadcast_in_dim3A_382, %get3A_251 : vector<16xf32>
    %gt3A_385 = arith.constant 9 : i32
    %gt3A_386 = vector.broadcast %gt3A_385 : i32 to vector<16xi32>
    %gt3A_387 = arith.cmpi sgt, %iota3A, %gt3A_386 : vector<16xi32>
    %and3A_388 = arith.andi %eq3A_384, %gt3A_387 : vector<16xi1>
    %or3A_389 = arith.ori %gt3A_383, %and3A_388 : vector<16xi1>
    %select_n3A_390 = arith.select %or3A_389, %broadcast_in_dim3A_3, %broadcast_in_dim3A_5 : vector<16xi1>, vector<16xi32>
    %add3A_391 = arith.addi %add3A_379, %select_n3A_390 : vector<16xi32>
    %slice3A_392 = vector.extract_strided_slice %get3A_271 {offsets = [10], sizes = [1], strides = [1]} : vector<16xf32> to vector<1xf32>
    %squeeze3A_393 = vector.extract %slice3A_392[0] : f32 from vector<1xf32>
    %broadcast_in_dim3A_394 = vector.broadcast %squeeze3A_393 : f32 to vector<16xf32>
    %gt3A_395 = arith.cmpf ogt, %broadcast_in_dim3A_394, %get3A_251 : vector<16xf32>
    %eq3A_396 = arith.cmpf oeq, %broadcast_in_dim3A_394, %get3A_251 : vector<16xf32>
    %gt3A_397 = arith.constant 10 : i32
    %gt3A_398 = vector.broadcast %gt3A_397 : i32 to vector<16xi32>
    %gt3A_399 = arith.cmpi sgt, %iota3A, %gt3A_398 : vector<16xi32>
    %and3A_400 = arith.andi %eq3A_396, %gt3A_399 : vector<16xi1>
    %or3A_401 = arith.ori %gt3A_395, %and3A_400 : vector<16xi1>
    %select_n3A_402 = arith.select %or3A_401, %broadcast_in_dim3A_3, %broadcast_in_dim3A_5 : vector<16xi1>, vector<16xi32>
    %add3A_403 = arith.addi %add3A_391, %select_n3A_402 : vector<16xi32>
    %slice3A_404 = vector.extract_strided_slice %get3A_271 {offsets = [11], sizes = [1], strides = [1]} : vector<16xf32> to vector<1xf32>
    %squeeze3A_405 = vector.extract %slice3A_404[0] : f32 from vector<1xf32>
    %broadcast_in_dim3A_406 = vector.broadcast %squeeze3A_405 : f32 to vector<16xf32>
    %gt3A_407 = arith.cmpf ogt, %broadcast_in_dim3A_406, %get3A_251 : vector<16xf32>
    %eq3A_408 = arith.cmpf oeq, %broadcast_in_dim3A_406, %get3A_251 : vector<16xf32>
    %gt3A_409 = arith.constant 11 : i32
    %gt3A_410 = vector.broadcast %gt3A_409 : i32 to vector<16xi32>
    %gt3A_411 = arith.cmpi sgt, %iota3A, %gt3A_410 : vector<16xi32>
    %and3A_412 = arith.andi %eq3A_408, %gt3A_411 : vector<16xi1>
    %or3A_413 = arith.ori %gt3A_407, %and3A_412 : vector<16xi1>
    %select_n3A_414 = arith.select %or3A_413, %broadcast_in_dim3A_3, %broadcast_in_dim3A_5 : vector<16xi1>, vector<16xi32>
    %add3A_415 = arith.addi %add3A_403, %select_n3A_414 : vector<16xi32>
    %slice3A_416 = vector.extract_strided_slice %get3A_271 {offsets = [12], sizes = [1], strides = [1]} : vector<16xf32> to vector<1xf32>
    %squeeze3A_417 = vector.extract %slice3A_416[0] : f32 from vector<1xf32>
    %broadcast_in_dim3A_418 = vector.broadcast %squeeze3A_417 : f32 to vector<16xf32>
    %gt3A_419 = arith.cmpf ogt, %broadcast_in_dim3A_418, %get3A_251 : vector<16xf32>
    %eq3A_420 = arith.cmpf oeq, %broadcast_in_dim3A_418, %get3A_251 : vector<16xf32>
    %gt3A_421 = arith.constant 12 : i32
    %gt3A_422 = vector.broadcast %gt3A_421 : i32 to vector<16xi32>
    %gt3A_423 = arith.cmpi sgt, %iota3A, %gt3A_422 : vector<16xi32>
    %and3A_424 = arith.andi %eq3A_420, %gt3A_423 : vector<16xi1>
    %or3A_425 = arith.ori %gt3A_419, %and3A_424 : vector<16xi1>
    %select_n3A_426 = arith.select %or3A_425, %broadcast_in_dim3A_3, %broadcast_in_dim3A_5 : vector<16xi1>, vector<16xi32>
    %add3A_427 = arith.addi %add3A_415, %select_n3A_426 : vector<16xi32>
    %slice3A_428 = vector.extract_strided_slice %get3A_271 {offsets = [13], sizes = [1], strides = [1]} : vector<16xf32> to vector<1xf32>
    %squeeze3A_429 = vector.extract %slice3A_428[0] : f32 from vector<1xf32>
    %broadcast_in_dim3A_430 = vector.broadcast %squeeze3A_429 : f32 to vector<16xf32>
    %gt3A_431 = arith.cmpf ogt, %broadcast_in_dim3A_430, %get3A_251 : vector<16xf32>
    %eq3A_432 = arith.cmpf oeq, %broadcast_in_dim3A_430, %get3A_251 : vector<16xf32>
    %gt3A_433 = arith.constant 13 : i32
    %gt3A_434 = vector.broadcast %gt3A_433 : i32 to vector<16xi32>
    %gt3A_435 = arith.cmpi sgt, %iota3A, %gt3A_434 : vector<16xi32>
    %and3A_436 = arith.andi %eq3A_432, %gt3A_435 : vector<16xi1>
    %or3A_437 = arith.ori %gt3A_431, %and3A_436 : vector<16xi1>
    %select_n3A_438 = arith.select %or3A_437, %broadcast_in_dim3A_3, %broadcast_in_dim3A_5 : vector<16xi1>, vector<16xi32>
    %add3A_439 = arith.addi %add3A_427, %select_n3A_438 : vector<16xi32>
    %slice3A_440 = vector.extract_strided_slice %get3A_271 {offsets = [14], sizes = [1], strides = [1]} : vector<16xf32> to vector<1xf32>
    %squeeze3A_441 = vector.extract %slice3A_440[0] : f32 from vector<1xf32>
    %broadcast_in_dim3A_442 = vector.broadcast %squeeze3A_441 : f32 to vector<16xf32>
    %gt3A_443 = arith.cmpf ogt, %broadcast_in_dim3A_442, %get3A_251 : vector<16xf32>
    %eq3A_444 = arith.cmpf oeq, %broadcast_in_dim3A_442, %get3A_251 : vector<16xf32>
    %gt3A_445 = arith.constant 14 : i32
    %gt3A_446 = vector.broadcast %gt3A_445 : i32 to vector<16xi32>
    %gt3A_447 = arith.cmpi sgt, %iota3A, %gt3A_446 : vector<16xi32>
    %and3A_448 = arith.andi %eq3A_444, %gt3A_447 : vector<16xi1>
    %or3A_449 = arith.ori %gt3A_443, %and3A_448 : vector<16xi1>
    %select_n3A_450 = arith.select %or3A_449, %broadcast_in_dim3A_3, %broadcast_in_dim3A_5 : vector<16xi1>, vector<16xi32>
    %add3A_451 = arith.addi %add3A_439, %select_n3A_450 : vector<16xi32>
    %slice3A_452 = vector.extract_strided_slice %get3A_271 {offsets = [15], sizes = [1], strides = [1]} : vector<16xf32> to vector<1xf32>
    %squeeze3A_453 = vector.extract %slice3A_452[0] : f32 from vector<1xf32>
    %broadcast_in_dim3A_454 = vector.broadcast %squeeze3A_453 : f32 to vector<16xf32>
    %gt3A_455 = arith.cmpf ogt, %broadcast_in_dim3A_454, %get3A_251 : vector<16xf32>
    %eq3A_456 = arith.cmpf oeq, %broadcast_in_dim3A_454, %get3A_251 : vector<16xf32>
    %gt3A_457 = arith.constant 15 : i32
    %gt3A_458 = vector.broadcast %gt3A_457 : i32 to vector<16xi32>
    %gt3A_459 = arith.cmpi sgt, %iota3A, %gt3A_458 : vector<16xi32>
    %and3A_460 = arith.andi %eq3A_456, %gt3A_459 : vector<16xi1>
    %or3A_461 = arith.ori %gt3A_455, %and3A_460 : vector<16xi1>
    %select_n3A_462 = arith.select %or3A_461, %broadcast_in_dim3A_3, %broadcast_in_dim3A_5 : vector<16xi1>, vector<16xi32>
    %add3A_463 = arith.addi %add3A_451, %select_n3A_462 : vector<16xi32>
    %add3A_464 = arith.constant 1 : i32
    %add3A_465 = arith.addi %add3A_255, %add3A_464 : i32
    %while3A_466 = arith.constant 57 : i32
    %while3A_467 = arith.subi %while3A_466, %add3A_465 : i32
    %while3A_468 = arith.addi %add3A_465, %while3A_467 : i32
    %while3A_469 = arith.constant 1 : i32
    %while3A_470 = arith.divsi %while3A_467, %while3A_469 : i32
    %while3A_471 = arith.muli %while3A_470, %while3A_469 : i32
    %while3A_472 = arith.addi %add3A_465, %while3A_471 : i32
    %while3A_473 = arith.constant 1 : i32
    %while3A_474 = scf.for %while3A_522 = %add3A_465 to %while3A_472 step %while3A_473 iter_args(%while3A_523 = %add3A_463) -> (vector<16xi32>)  : i32 {
      %mul3A_524 = arith.constant 16 : i32
      %mul3A_525 = arith.muli %mul3A_524, %while3A_522 : i32
      %get3A_526 = arith.index_cast %mul3A_525 : i32 to index
      %get3A_527 = tpu.vector_load %arg7[%get3A_526] {strides = array<i32>} : memref<1024xf32, #tpu.memory_space<vmem>>, vector<16xf32>,
      %get3A_528 = vector.shape_cast %get3A_527 : vector<16xf32> to vector<16xf32>
      %slice3A_529 = vector.extract_strided_slice %get3A_528 {offsets = [0], sizes = [1], strides = [1]} : vector<16xf32> to vector<1xf32>
      %squeeze3A_530 = vector.extract %slice3A_529[0] : f32 from vector<1xf32>
      %broadcast_in_dim3A_531 = vector.broadcast %squeeze3A_530 : f32 to vector<16xf32>
      %gt3A_532 = arith.cmpf ogt, %broadcast_in_dim3A_531, %get3A_251 : vector<16xf32>
      %select_n3A_533 = arith.select %gt3A_532, %broadcast_in_dim3A_3, %broadcast_in_dim3A_5 : vector<16xi1>, vector<16xi32>
      %add3A_534 = arith.addi %while3A_523, %select_n3A_533 : vector<16xi32>
      %slice3A_535 = vector.extract_strided_slice %get3A_528 {offsets = [1], sizes = [1], strides = [1]} : vector<16xf32> to vector<1xf32>
      %squeeze3A_536 = vector.extract %slice3A_535[0] : f32 from vector<1xf32>
      %broadcast_in_dim3A_537 = vector.broadcast %squeeze3A_536 : f32 to vector<16xf32>
      %gt3A_538 = arith.cmpf ogt, %broadcast_in_dim3A_537, %get3A_251 : vector<16xf32>
      %select_n3A_539 = arith.select %gt3A_538, %broadcast_in_dim3A_3, %broadcast_in_dim3A_5 : vector<16xi1>, vector<16xi32>
      %add3A_540 = arith.addi %add3A_534, %select_n3A_539 : vector<16xi32>
      %slice3A_541 = vector.extract_strided_slice %get3A_528 {offsets = [2], sizes = [1], strides = [1]} : vector<16xf32> to vector<1xf32>
      %squeeze3A_542 = vector.extract %slice3A_541[0] : f32 from vector<1xf32>
      %broadcast_in_dim3A_543 = vector.broadcast %squeeze3A_542 : f32 to vector<16xf32>
      %gt3A_544 = arith.cmpf ogt, %broadcast_in_dim3A_543, %get3A_251 : vector<16xf32>
      %select_n3A_545 = arith.select %gt3A_544, %broadcast_in_dim3A_3, %broadcast_in_dim3A_5 : vector<16xi1>, vector<16xi32>
      %add3A_546 = arith.addi %add3A_540, %select_n3A_545 : vector<16xi32>
      %slice3A_547 = vector.extract_strided_slice %get3A_528 {offsets = [3], sizes = [1], strides = [1]} : vector<16xf32> to vector<1xf32>
      %squeeze3A_548 = vector.extract %slice3A_547[0] : f32 from vector<1xf32>
      %broadcast_in_dim3A_549 = vector.broadcast %squeeze3A_548 : f32 to vector<16xf32>
      %gt3A_550 = arith.cmpf ogt, %broadcast_in_dim3A_549, %get3A_251 : vector<16xf32>
      %select_n3A_551 = arith.select %gt3A_550, %broadcast_in_dim3A_3, %broadcast_in_dim3A_5 : vector<16xi1>, vector<16xi32>
      %add3A_552 = arith.addi %add3A_546, %select_n3A_551 : vector<16xi32>
      %slice3A_553 = vector.extract_strided_slice %get3A_528 {offsets = [4], sizes = [1], strides = [1]} : vector<16xf32> to vector<1xf32>
      %squeeze3A_554 = vector.extract %slice3A_553[0] : f32 from vector<1xf32>
      %broadcast_in_dim3A_555 = vector.broadcast %squeeze3A_554 : f32 to vector<16xf32>
      %gt3A_556 = arith.cmpf ogt, %broadcast_in_dim3A_555, %get3A_251 : vector<16xf32>
      %select_n3A_557 = arith.select %gt3A_556, %broadcast_in_dim3A_3, %broadcast_in_dim3A_5 : vector<16xi1>, vector<16xi32>
      %add3A_558 = arith.addi %add3A_552, %select_n3A_557 : vector<16xi32>
      %slice3A_559 = vector.extract_strided_slice %get3A_528 {offsets = [5], sizes = [1], strides = [1]} : vector<16xf32> to vector<1xf32>
      %squeeze3A_560 = vector.extract %slice3A_559[0] : f32 from vector<1xf32>
      %broadcast_in_dim3A_561 = vector.broadcast %squeeze3A_560 : f32 to vector<16xf32>
      %gt3A_562 = arith.cmpf ogt, %broadcast_in_dim3A_561, %get3A_251 : vector<16xf32>
      %select_n3A_563 = arith.select %gt3A_562, %broadcast_in_dim3A_3, %broadcast_in_dim3A_5 : vector<16xi1>, vector<16xi32>
      %add3A_564 = arith.addi %add3A_558, %select_n3A_563 : vector<16xi32>
      %slice3A_565 = vector.extract_strided_slice %get3A_528 {offsets = [6], sizes = [1], strides = [1]} : vector<16xf32> to vector<1xf32>
      %squeeze3A_566 = vector.extract %slice3A_565[0] : f32 from vector<1xf32>
      %broadcast_in_dim3A_567 = vector.broadcast %squeeze3A_566 : f32 to vector<16xf32>
      %gt3A_568 = arith.cmpf ogt, %broadcast_in_dim3A_567, %get3A_251 : vector<16xf32>
      %select_n3A_569 = arith.select %gt3A_568, %broadcast_in_dim3A_3, %broadcast_in_dim3A_5 : vector<16xi1>, vector<16xi32>
      %add3A_570 = arith.addi %add3A_564, %select_n3A_569 : vector<16xi32>
      %slice3A_571 = vector.extract_strided_slice %get3A_528 {offsets = [7], sizes = [1], strides = [1]} : vector<16xf32> to vector<1xf32>
      %squeeze3A_572 = vector.extract %slice3A_571[0] : f32 from vector<1xf32>
      %broadcast_in_dim3A_573 = vector.broadcast %squeeze3A_572 : f32 to vector<16xf32>
      %gt3A_574 = arith.cmpf ogt, %broadcast_in_dim3A_573, %get3A_251 : vector<16xf32>
      %select_n3A_575 = arith.select %gt3A_574, %broadcast_in_dim3A_3, %broadcast_in_dim3A_5 : vector<16xi1>, vector<16xi32>
      %add3A_576 = arith.addi %add3A_570, %select_n3A_575 : vector<16xi32>
      %slice3A_577 = vector.extract_strided_slice %get3A_528 {offsets = [8], sizes = [1], strides = [1]} : vector<16xf32> to vector<1xf32>
      %squeeze3A_578 = vector.extract %slice3A_577[0] : f32 from vector<1xf32>
      %broadcast_in_dim3A_579 = vector.broadcast %squeeze3A_578 : f32 to vector<16xf32>
      %gt3A_580 = arith.cmpf ogt, %broadcast_in_dim3A_579, %get3A_251 : vector<16xf32>
      %select_n3A_581 = arith.select %gt3A_580, %broadcast_in_dim3A_3, %broadcast_in_dim3A_5 : vector<16xi1>, vector<16xi32>
      %add3A_582 = arith.addi %add3A_576, %select_n3A_581 : vector<16xi32>
      %slice3A_583 = vector.extract_strided_slice %get3A_528 {offsets = [9], sizes = [1], strides = [1]} : vector<16xf32> to vector<1xf32>
      %squeeze3A_584 = vector.extract %slice3A_583[0] : f32 from vector<1xf32>
      %broadcast_in_dim3A_585 = vector.broadcast %squeeze3A_584 : f32 to vector<16xf32>
      %gt3A_586 = arith.cmpf ogt, %broadcast_in_dim3A_585, %get3A_251 : vector<16xf32>
      %select_n3A_587 = arith.select %gt3A_586, %broadcast_in_dim3A_3, %broadcast_in_dim3A_5 : vector<16xi1>, vector<16xi32>
      %add3A_588 = arith.addi %add3A_582, %select_n3A_587 : vector<16xi32>
      %slice3A_589 = vector.extract_strided_slice %get3A_528 {offsets = [10], sizes = [1], strides = [1]} : vector<16xf32> to vector<1xf32>
      %squeeze3A_590 = vector.extract %slice3A_589[0] : f32 from vector<1xf32>
      %broadcast_in_dim3A_591 = vector.broadcast %squeeze3A_590 : f32 to vector<16xf32>
      %gt3A_592 = arith.cmpf ogt, %broadcast_in_dim3A_591, %get3A_251 : vector<16xf32>
      %select_n3A_593 = arith.select %gt3A_592, %broadcast_in_dim3A_3, %broadcast_in_dim3A_5 : vector<16xi1>, vector<16xi32>
      %add3A_594 = arith.addi %add3A_588, %select_n3A_593 : vector<16xi32>
      %slice3A_595 = vector.extract_strided_slice %get3A_528 {offsets = [11], sizes = [1], strides = [1]} : vector<16xf32> to vector<1xf32>
      %squeeze3A_596 = vector.extract %slice3A_595[0] : f32 from vector<1xf32>
      %broadcast_in_dim3A_597 = vector.broadcast %squeeze3A_596 : f32 to vector<16xf32>
      %gt3A_598 = arith.cmpf ogt, %broadcast_in_dim3A_597, %get3A_251 : vector<16xf32>
      %select_n3A_599 = arith.select %gt3A_598, %broadcast_in_dim3A_3, %broadcast_in_dim3A_5 : vector<16xi1>, vector<16xi32>
      %add3A_600 = arith.addi %add3A_594, %select_n3A_599 : vector<16xi32>
      %slice3A_601 = vector.extract_strided_slice %get3A_528 {offsets = [12], sizes = [1], strides = [1]} : vector<16xf32> to vector<1xf32>
      %squeeze3A_602 = vector.extract %slice3A_601[0] : f32 from vector<1xf32>
      %broadcast_in_dim3A_603 = vector.broadcast %squeeze3A_602 : f32 to vector<16xf32>
      %gt3A_604 = arith.cmpf ogt, %broadcast_in_dim3A_603, %get3A_251 : vector<16xf32>
      %select_n3A_605 = arith.select %gt3A_604, %broadcast_in_dim3A_3, %broadcast_in_dim3A_5 : vector<16xi1>, vector<16xi32>
      %add3A_606 = arith.addi %add3A_600, %select_n3A_605 : vector<16xi32>
      %slice3A_607 = vector.extract_strided_slice %get3A_528 {offsets = [13], sizes = [1], strides = [1]} : vector<16xf32> to vector<1xf32>
      %squeeze3A_608 = vector.extract %slice3A_607[0] : f32 from vector<1xf32>
      %broadcast_in_dim3A_609 = vector.broadcast %squeeze3A_608 : f32 to vector<16xf32>
      %gt3A_610 = arith.cmpf ogt, %broadcast_in_dim3A_609, %get3A_251 : vector<16xf32>
      %select_n3A_611 = arith.select %gt3A_610, %broadcast_in_dim3A_3, %broadcast_in_dim3A_5 : vector<16xi1>, vector<16xi32>
      %add3A_612 = arith.addi %add3A_606, %select_n3A_611 : vector<16xi32>
      %slice3A_613 = vector.extract_strided_slice %get3A_528 {offsets = [14], sizes = [1], strides = [1]} : vector<16xf32> to vector<1xf32>
      %squeeze3A_614 = vector.extract %slice3A_613[0] : f32 from vector<1xf32>
      %broadcast_in_dim3A_615 = vector.broadcast %squeeze3A_614 : f32 to vector<16xf32>
      %gt3A_616 = arith.cmpf ogt, %broadcast_in_dim3A_615, %get3A_251 : vector<16xf32>
      %select_n3A_617 = arith.select %gt3A_616, %broadcast_in_dim3A_3, %broadcast_in_dim3A_5 : vector<16xi1>, vector<16xi32>
      %add3A_618 = arith.addi %add3A_612, %select_n3A_617 : vector<16xi32>
      %slice3A_619 = vector.extract_strided_slice %get3A_528 {offsets = [15], sizes = [1], strides = [1]} : vector<16xf32> to vector<1xf32>
      %squeeze3A_620 = vector.extract %slice3A_619[0] : f32 from vector<1xf32>
      %broadcast_in_dim3A_621 = vector.broadcast %squeeze3A_620 : f32 to vector<16xf32>
      %gt3A_622 = arith.cmpf ogt, %broadcast_in_dim3A_621, %get3A_251 : vector<16xf32>
      %select_n3A_623 = arith.select %gt3A_622, %broadcast_in_dim3A_3, %broadcast_in_dim3A_5 : vector<16xi1>, vector<16xi32>
      %add3A_624 = arith.addi %add3A_618, %select_n3A_623 : vector<16xi32>
      scf.yield %add3A_624 : vector<16xi32>
    }
    %while3A_475 = arith.constant 1 : i32
    %while3A_476 = scf.for %while3A_522 = %while3A_472 to %while3A_468 step %while3A_475 iter_args(%while3A_523 = %while3A_474) -> (vector<16xi32>)  : i32 {
      %mul3A_524 = arith.constant 16 : i32
      %mul3A_525 = arith.muli %mul3A_524, %while3A_522 : i32
      %get3A_526 = arith.index_cast %mul3A_525 : i32 to index
      %get3A_527 = tpu.vector_load %arg7[%get3A_526] {strides = array<i32>} : memref<1024xf32, #tpu.memory_space<vmem>>, vector<16xf32>,
      %get3A_528 = vector.shape_cast %get3A_527 : vector<16xf32> to vector<16xf32>
      %slice3A_529 = vector.extract_strided_slice %get3A_528 {offsets = [0], sizes = [1], strides = [1]} : vector<16xf32> to vector<1xf32>
      %squeeze3A_530 = vector.extract %slice3A_529[0] : f32 from vector<1xf32>
      %broadcast_in_dim3A_531 = vector.broadcast %squeeze3A_530 : f32 to vector<16xf32>
      %gt3A_532 = arith.cmpf ogt, %broadcast_in_dim3A_531, %get3A_251 : vector<16xf32>
      %select_n3A_533 = arith.select %gt3A_532, %broadcast_in_dim3A_3, %broadcast_in_dim3A_5 : vector<16xi1>, vector<16xi32>
      %add3A_534 = arith.addi %while3A_523, %select_n3A_533 : vector<16xi32>
      %slice3A_535 = vector.extract_strided_slice %get3A_528 {offsets = [1], sizes = [1], strides = [1]} : vector<16xf32> to vector<1xf32>
      %squeeze3A_536 = vector.extract %slice3A_535[0] : f32 from vector<1xf32>
      %broadcast_in_dim3A_537 = vector.broadcast %squeeze3A_536 : f32 to vector<16xf32>
      %gt3A_538 = arith.cmpf ogt, %broadcast_in_dim3A_537, %get3A_251 : vector<16xf32>
      %select_n3A_539 = arith.select %gt3A_538, %broadcast_in_dim3A_3, %broadcast_in_dim3A_5 : vector<16xi1>, vector<16xi32>
      %add3A_540 = arith.addi %add3A_534, %select_n3A_539 : vector<16xi32>
      %slice3A_541 = vector.extract_strided_slice %get3A_528 {offsets = [2], sizes = [1], strides = [1]} : vector<16xf32> to vector<1xf32>
      %squeeze3A_542 = vector.extract %slice3A_541[0] : f32 from vector<1xf32>
      %broadcast_in_dim3A_543 = vector.broadcast %squeeze3A_542 : f32 to vector<16xf32>
      %gt3A_544 = arith.cmpf ogt, %broadcast_in_dim3A_543, %get3A_251 : vector<16xf32>
      %select_n3A_545 = arith.select %gt3A_544, %broadcast_in_dim3A_3, %broadcast_in_dim3A_5 : vector<16xi1>, vector<16xi32>
      %add3A_546 = arith.addi %add3A_540, %select_n3A_545 : vector<16xi32>
      %slice3A_547 = vector.extract_strided_slice %get3A_528 {offsets = [3], sizes = [1], strides = [1]} : vector<16xf32> to vector<1xf32>
      %squeeze3A_548 = vector.extract %slice3A_547[0] : f32 from vector<1xf32>
      %broadcast_in_dim3A_549 = vector.broadcast %squeeze3A_548 : f32 to vector<16xf32>
      %gt3A_550 = arith.cmpf ogt, %broadcast_in_dim3A_549, %get3A_251 : vector<16xf32>
      %select_n3A_551 = arith.select %gt3A_550, %broadcast_in_dim3A_3, %broadcast_in_dim3A_5 : vector<16xi1>, vector<16xi32>
      %add3A_552 = arith.addi %add3A_546, %select_n3A_551 : vector<16xi32>
      %slice3A_553 = vector.extract_strided_slice %get3A_528 {offsets = [4], sizes = [1], strides = [1]} : vector<16xf32> to vector<1xf32>
      %squeeze3A_554 = vector.extract %slice3A_553[0] : f32 from vector<1xf32>
      %broadcast_in_dim3A_555 = vector.broadcast %squeeze3A_554 : f32 to vector<16xf32>
      %gt3A_556 = arith.cmpf ogt, %broadcast_in_dim3A_555, %get3A_251 : vector<16xf32>
      %select_n3A_557 = arith.select %gt3A_556, %broadcast_in_dim3A_3, %broadcast_in_dim3A_5 : vector<16xi1>, vector<16xi32>
      %add3A_558 = arith.addi %add3A_552, %select_n3A_557 : vector<16xi32>
      %slice3A_559 = vector.extract_strided_slice %get3A_528 {offsets = [5], sizes = [1], strides = [1]} : vector<16xf32> to vector<1xf32>
      %squeeze3A_560 = vector.extract %slice3A_559[0] : f32 from vector<1xf32>
      %broadcast_in_dim3A_561 = vector.broadcast %squeeze3A_560 : f32 to vector<16xf32>
      %gt3A_562 = arith.cmpf ogt, %broadcast_in_dim3A_561, %get3A_251 : vector<16xf32>
      %select_n3A_563 = arith.select %gt3A_562, %broadcast_in_dim3A_3, %broadcast_in_dim3A_5 : vector<16xi1>, vector<16xi32>
      %add3A_564 = arith.addi %add3A_558, %select_n3A_563 : vector<16xi32>
      %slice3A_565 = vector.extract_strided_slice %get3A_528 {offsets = [6], sizes = [1], strides = [1]} : vector<16xf32> to vector<1xf32>
      %squeeze3A_566 = vector.extract %slice3A_565[0] : f32 from vector<1xf32>
      %broadcast_in_dim3A_567 = vector.broadcast %squeeze3A_566 : f32 to vector<16xf32>
      %gt3A_568 = arith.cmpf ogt, %broadcast_in_dim3A_567, %get3A_251 : vector<16xf32>
      %select_n3A_569 = arith.select %gt3A_568, %broadcast_in_dim3A_3, %broadcast_in_dim3A_5 : vector<16xi1>, vector<16xi32>
      %add3A_570 = arith.addi %add3A_564, %select_n3A_569 : vector<16xi32>
      %slice3A_571 = vector.extract_strided_slice %get3A_528 {offsets = [7], sizes = [1], strides = [1]} : vector<16xf32> to vector<1xf32>
      %squeeze3A_572 = vector.extract %slice3A_571[0] : f32 from vector<1xf32>
      %broadcast_in_dim3A_573 = vector.broadcast %squeeze3A_572 : f32 to vector<16xf32>
      %gt3A_574 = arith.cmpf ogt, %broadcast_in_dim3A_573, %get3A_251 : vector<16xf32>
      %select_n3A_575 = arith.select %gt3A_574, %broadcast_in_dim3A_3, %broadcast_in_dim3A_5 : vector<16xi1>, vector<16xi32>
      %add3A_576 = arith.addi %add3A_570, %select_n3A_575 : vector<16xi32>
      %slice3A_577 = vector.extract_strided_slice %get3A_528 {offsets = [8], sizes = [1], strides = [1]} : vector<16xf32> to vector<1xf32>
      %squeeze3A_578 = vector.extract %slice3A_577[0] : f32 from vector<1xf32>
      %broadcast_in_dim3A_579 = vector.broadcast %squeeze3A_578 : f32 to vector<16xf32>
      %gt3A_580 = arith.cmpf ogt, %broadcast_in_dim3A_579, %get3A_251 : vector<16xf32>
      %select_n3A_581 = arith.select %gt3A_580, %broadcast_in_dim3A_3, %broadcast_in_dim3A_5 : vector<16xi1>, vector<16xi32>
      %add3A_582 = arith.addi %add3A_576, %select_n3A_581 : vector<16xi32>
      %slice3A_583 = vector.extract_strided_slice %get3A_528 {offsets = [9], sizes = [1], strides = [1]} : vector<16xf32> to vector<1xf32>
      %squeeze3A_584 = vector.extract %slice3A_583[0] : f32 from vector<1xf32>
      %broadcast_in_dim3A_585 = vector.broadcast %squeeze3A_584 : f32 to vector<16xf32>
      %gt3A_586 = arith.cmpf ogt, %broadcast_in_dim3A_585, %get3A_251 : vector<16xf32>
      %select_n3A_587 = arith.select %gt3A_586, %broadcast_in_dim3A_3, %broadcast_in_dim3A_5 : vector<16xi1>, vector<16xi32>
      %add3A_588 = arith.addi %add3A_582, %select_n3A_587 : vector<16xi32>
      %slice3A_589 = vector.extract_strided_slice %get3A_528 {offsets = [10], sizes = [1], strides = [1]} : vector<16xf32> to vector<1xf32>
      %squeeze3A_590 = vector.extract %slice3A_589[0] : f32 from vector<1xf32>
      %broadcast_in_dim3A_591 = vector.broadcast %squeeze3A_590 : f32 to vector<16xf32>
      %gt3A_592 = arith.cmpf ogt, %broadcast_in_dim3A_591, %get3A_251 : vector<16xf32>
      %select_n3A_593 = arith.select %gt3A_592, %broadcast_in_dim3A_3, %broadcast_in_dim3A_5 : vector<16xi1>, vector<16xi32>
      %add3A_594 = arith.addi %add3A_588, %select_n3A_593 : vector<16xi32>
      %slice3A_595 = vector.extract_strided_slice %get3A_528 {offsets = [11], sizes = [1], strides = [1]} : vector<16xf32> to vector<1xf32>
      %squeeze3A_596 = vector.extract %slice3A_595[0] : f32 from vector<1xf32>
      %broadcast_in_dim3A_597 = vector.broadcast %squeeze3A_596 : f32 to vector<16xf32>
      %gt3A_598 = arith.cmpf ogt, %broadcast_in_dim3A_597, %get3A_251 : vector<16xf32>
      %select_n3A_599 = arith.select %gt3A_598, %broadcast_in_dim3A_3, %broadcast_in_dim3A_5 : vector<16xi1>, vector<16xi32>
      %add3A_600 = arith.addi %add3A_594, %select_n3A_599 : vector<16xi32>
      %slice3A_601 = vector.extract_strided_slice %get3A_528 {offsets = [12], sizes = [1], strides = [1]} : vector<16xf32> to vector<1xf32>
      %squeeze3A_602 = vector.extract %slice3A_601[0] : f32 from vector<1xf32>
      %broadcast_in_dim3A_603 = vector.broadcast %squeeze3A_602 : f32 to vector<16xf32>
      %gt3A_604 = arith.cmpf ogt, %broadcast_in_dim3A_603, %get3A_251 : vector<16xf32>
      %select_n3A_605 = arith.select %gt3A_604, %broadcast_in_dim3A_3, %broadcast_in_dim3A_5 : vector<16xi1>, vector<16xi32>
      %add3A_606 = arith.addi %add3A_600, %select_n3A_605 : vector<16xi32>
      %slice3A_607 = vector.extract_strided_slice %get3A_528 {offsets = [13], sizes = [1], strides = [1]} : vector<16xf32> to vector<1xf32>
      %squeeze3A_608 = vector.extract %slice3A_607[0] : f32 from vector<1xf32>
      %broadcast_in_dim3A_609 = vector.broadcast %squeeze3A_608 : f32 to vector<16xf32>
      %gt3A_610 = arith.cmpf ogt, %broadcast_in_dim3A_609, %get3A_251 : vector<16xf32>
      %select_n3A_611 = arith.select %gt3A_610, %broadcast_in_dim3A_3, %broadcast_in_dim3A_5 : vector<16xi1>, vector<16xi32>
      %add3A_612 = arith.addi %add3A_606, %select_n3A_611 : vector<16xi32>
      %slice3A_613 = vector.extract_strided_slice %get3A_528 {offsets = [14], sizes = [1], strides = [1]} : vector<16xf32> to vector<1xf32>
      %squeeze3A_614 = vector.extract %slice3A_613[0] : f32 from vector<1xf32>
      %broadcast_in_dim3A_615 = vector.broadcast %squeeze3A_614 : f32 to vector<16xf32>
      %gt3A_616 = arith.cmpf ogt, %broadcast_in_dim3A_615, %get3A_251 : vector<16xf32>
      %select_n3A_617 = arith.select %gt3A_616, %broadcast_in_dim3A_3, %broadcast_in_dim3A_5 : vector<16xi1>, vector<16xi32>
      %add3A_618 = arith.addi %add3A_612, %select_n3A_617 : vector<16xi32>
      %slice3A_619 = vector.extract_strided_slice %get3A_528 {offsets = [15], sizes = [1], strides = [1]} : vector<16xf32> to vector<1xf32>
      %squeeze3A_620 = vector.extract %slice3A_619[0] : f32 from vector<1xf32>
      %broadcast_in_dim3A_621 = vector.broadcast %squeeze3A_620 : f32 to vector<16xf32>
      %gt3A_622 = arith.cmpf ogt, %broadcast_in_dim3A_621, %get3A_251 : vector<16xf32>
      %select_n3A_623 = arith.select %gt3A_622, %broadcast_in_dim3A_3, %broadcast_in_dim3A_5 : vector<16xi1>, vector<16xi32>
      %add3A_624 = arith.addi %add3A_618, %select_n3A_623 : vector<16xi32>
      scf.yield %add3A_624 : vector<16xi32>
    }
    %add3A_477 = vector.broadcast %add3A_248 : i32 to vector<16xi32>
    %add3A_478 = arith.addi %iota3A, %add3A_477 : vector<16xi32>
    %lt3A_479 = arith.constant 112 : i32
    %lt3A_480 = vector.broadcast %lt3A_479 : i32 to vector<16xi32>
    %lt3A_481 = arith.cmpi slt, %while3A_476, %lt3A_480 : vector<16xi32>
    %lt3A_482 = arith.constant 900 : i32
    %lt3A_483 = vector.broadcast %lt3A_482 : i32 to vector<16xi32>
    %lt3A_484 = arith.cmpi slt, %add3A_478, %lt3A_483 : vector<16xi32>
    %and3A_485 = arith.andi %lt3A_481, %lt3A_484 : vector<16xi1>
    %jit3A_486 = arith.constant 127 : i32
    %broadcast_in_dim3A_487 = vector.broadcast %jit3A_486 : i32 to vector<16xi32>
    %select_n3A_488 = arith.select %and3A_485, %while3A_476, %broadcast_in_dim3A_487 : vector<16xi1>, vector<16xi32>
    %jit3A_489 = arith.constant 0 : i32
    %broadcast_in_dim3A_490 = vector.broadcast %jit3A_489 : i32 to vector<16xi32>
    %select_n3A_491 = arith.select %and3A_485, %add3A_478, %broadcast_in_dim3A_490 : vector<16xi1>, vector<16xi32>
    %swap3A_492 = arith.constant 16 : index
    %swap3A_493 = tpu.vector_load %arg8[%swap3A_492] {strides = array<i32>} : memref<32xi32, #tpu.memory_space<vmem>>, vector<16xi32>,
    %swap3A_494 = vector.shape_cast %swap3A_493 : vector<16xi32> to vector<16xi32>
    %swap3A_495 = vector.shape_cast %select_n3A_491 : vector<16xi32> to vector<16xi32>
    tpu.vector_store %arg8[%swap3A_492], %swap3A_495 {strides = array<i32>} : memref<32xi32, #tpu.memory_space<vmem>>, vector<16xi32>,
    %swap3A_496 = arith.constant 16 : index
    %swap3A_497 = tpu.vector_load %arg9[%swap3A_496] {strides = array<i32>} : memref<32xi32, #tpu.memory_space<vmem>>, vector<16xi32>,
    %swap3A_498 = vector.shape_cast %swap3A_497 : vector<16xi32> to vector<16xi32>
    %swap3A_499 = vector.shape_cast %select_n3A_488 : vector<16xi32> to vector<16xi32>
    tpu.vector_store %arg9[%swap3A_496], %swap3A_499 {strides = array<i32>} : memref<32xi32, #tpu.memory_space<vmem>>, vector<16xi32>,
    %dma_start3A = arith.constant 0 : i32
    %dma_start3A_500 = arith.constant 0 : i32
    %dma_start3A_501 = tpu.memref_slice %arg3[%dma_start3A, %dma_start3A_500] : memref<1024x128xf32, #tpu.memory_space<hbm>> -> memref<1024x128xf32, #tpu.memory_space<hbm>>
    tpu.enqueue_indirect_dma source(%dma_start3A_501 : memref<1024x128xf32, #tpu.memory_space<hbm>>) target(%arg10 : memref<32x128xf32, #tpu.memory_space<vmem>>) offsets(%arg8 : memref<32xi32, #tpu.memory_space<vmem>>) semaphore(%arg12 : memref<!tpu.dma_semaphore, #tpu.memory_space<semaphore_mem>>)
    %dma_wait3A = arith.constant 0 : i32
    %dma_wait3A_502 = arith.constant 0 : i32
    %dma_wait3A_503 = tpu.memref_slice %arg3[%dma_wait3A, %dma_wait3A_502] : memref<1024x128xf32, #tpu.memory_space<hbm>> -> memref<1024x128xf32, #tpu.memory_space<hbm>>
    tpu.wait_indirect_dma semaphore(%arg12 : memref<!tpu.dma_semaphore, #tpu.memory_space<semaphore_mem>>) src(%dma_wait3A_503 : memref<1024x128xf32, #tpu.memory_space<hbm>>) dst(%arg10 : memref<32x128xf32, #tpu.memory_space<vmem>>)
    %dma_start3A_504 = arith.constant 0 : i32
    %dma_start3A_505 = arith.constant 0 : i32
    %dma_start3A_506 = tpu.memref_slice %arg5[%dma_start3A_504, %dma_start3A_505] : memref<128x128xf32, #tpu.memory_space<hbm>> -> memref<128x128xf32, #tpu.memory_space<hbm>>
    tpu.enqueue_indirect_dma source(%arg10 : memref<32x128xf32, #tpu.memory_space<vmem>>) target(%dma_start3A_506 : memref<128x128xf32, #tpu.memory_space<hbm>>) offsets(%arg9 : memref<32xi32, #tpu.memory_space<vmem>>) semaphore(%arg12 : memref<!tpu.dma_semaphore, #tpu.memory_space<semaphore_mem>>)
    %dma_wait3A_507 = arith.constant 0 : i32
    %dma_wait3A_508 = arith.constant 0 : i32
    %dma_wait3A_509 = tpu.memref_slice %arg5[%dma_wait3A_507, %dma_wait3A_508] : memref<128x128xf32, #tpu.memory_space<hbm>> -> memref<128x128xf32, #tpu.memory_space<hbm>>
    tpu.wait_indirect_dma semaphore(%arg12 : memref<!tpu.dma_semaphore, #tpu.memory_space<semaphore_mem>>) src(%arg10 : memref<32x128xf32, #tpu.memory_space<vmem>>) dst(%dma_wait3A_509 : memref<128x128xf32, #tpu.memory_space<hbm>>)
    %dma_start3A_510 = arith.constant 0 : i32
    %dma_start3A_511 = arith.constant 0 : i32
    %dma_start3A_512 = tpu.memref_slice %arg4[%dma_start3A_510, %dma_start3A_511] : memref<900x256xf32, #tpu.memory_space<hbm>> -> memref<900x256xf32, #tpu.memory_space<hbm>>
    tpu.enqueue_indirect_dma source(%dma_start3A_512 : memref<900x256xf32, #tpu.memory_space<hbm>>) target(%arg11 : memref<32x256xf32, #tpu.memory_space<vmem>>) offsets(%arg8 : memref<32xi32, #tpu.memory_space<vmem>>) semaphore(%arg12 : memref<!tpu.dma_semaphore, #tpu.memory_space<semaphore_mem>>)
    %dma_wait3A_513 = arith.constant 0 : i32
    %dma_wait3A_514 = arith.constant 0 : i32
    %dma_wait3A_515 = tpu.memref_slice %arg4[%dma_wait3A_513, %dma_wait3A_514] : memref<900x256xf32, #tpu.memory_space<hbm>> -> memref<900x256xf32, #tpu.memory_space<hbm>>
    tpu.wait_indirect_dma semaphore(%arg12 : memref<!tpu.dma_semaphore, #tpu.memory_space<semaphore_mem>>) src(%dma_wait3A_515 : memref<900x256xf32, #tpu.memory_space<hbm>>) dst(%arg11 : memref<32x256xf32, #tpu.memory_space<vmem>>)
    %dma_start3A_516 = arith.constant 0 : i32
    %dma_start3A_517 = arith.constant 0 : i32
    %dma_start3A_518 = tpu.memref_slice %arg6[%dma_start3A_516, %dma_start3A_517] : memref<128x256xf32, #tpu.memory_space<hbm>> -> memref<128x256xf32, #tpu.memory_space<hbm>>
    tpu.enqueue_indirect_dma source(%arg11 : memref<32x256xf32, #tpu.memory_space<vmem>>) target(%dma_start3A_518 : memref<128x256xf32, #tpu.memory_space<hbm>>) offsets(%arg9 : memref<32xi32, #tpu.memory_space<vmem>>) semaphore(%arg12 : memref<!tpu.dma_semaphore, #tpu.memory_space<semaphore_mem>>)
    %dma_wait3A_519 = arith.constant 0 : i32
    %dma_wait3A_520 = arith.constant 0 : i32
    %dma_wait3A_521 = tpu.memref_slice %arg6[%dma_wait3A_519, %dma_wait3A_520] : memref<128x256xf32, #tpu.memory_space<hbm>> -> memref<128x256xf32, #tpu.memory_space<hbm>>
    tpu.wait_indirect_dma semaphore(%arg12 : memref<!tpu.dma_semaphore, #tpu.memory_space<semaphore_mem>>) src(%arg11 : memref<32x256xf32, #tpu.memory_space<vmem>>) dst(%dma_wait3A_521 : memref<128x256xf32, #tpu.memory_space<hbm>>)
    return
  }
}

module attributes {stable_mosaic.version = 14 : i64} {
  func.func @_stage1_body(%arg0: i32, %arg1: memref<1x4xf32, #tpu.memory_space<vmem>>, %arg2: memref<1x64x30523xf32, #tpu.memory_space<vmem>>, %arg3: memref<1x64x4xf32, #tpu.memory_space<vmem>>, %arg4: memref<64x1xf32, #tpu.memory_space<vmem>>, %arg5: memref<64x128xf32, #tpu.memory_space<vmem>>) attributes {dimension_semantics = [#tpu.dimension_semantics<arbitrary>], iteration_bounds = array<i64: 15>, scalar_prefetch = 0 : i64, scratch_operands = 0 : i64, tpu.core_type = #tpu.core_type<tc>, window_params = [{pipeline_mode = #tpu.pipeline_mode<synchronous>, transform_indices = @transform_0, window_bounds = array<i64: 1, 4>}, {transform_indices = @transform_1, window_bounds = array<i64: 1, 64, 30523>}, {transform_indices = @transform_2, window_bounds = array<i64: 1, 64, 4>}, {transform_indices = @transform_3, window_bounds = array<i64: 64, 1>}, {transform_indices = @transform_4, window_bounds = array<i64: 64, 128>}]} {
    %get3A = arith.constant 0 : index
    %get3A_0 = arith.constant 0 : index
    %get3A_1 = arith.constant 0 : index
    %get3A_2 = vector.load %arg2[%get3A, %get3A_0, %get3A_1] : memref<1x64x30523xf32, #tpu.memory_space<vmem>>, vector<1x64x30523xf32>
    %get3A_3 = vector.shape_cast %get3A_2 : vector<1x64x30523xf32> to vector<64x30523xf32>
    %slice3A = vector.extract_strided_slice %get3A_3 {offsets = [0, 0], sizes = [64, 30522], strides = [1, 1]} : vector<64x30523xf32> to vector<64x30522xf32>
    %reduce_max3A = arith.constant dense<0xFF800000> : vector<64xf32>
    %reduce_max3A_4 = vector.multi_reduction <maximumf>, %slice3A, %reduce_max3A [1] : vector<64x30522xf32> to vector<64xf32>
    %broadcast_in_dim3A = vector.shape_cast %reduce_max3A_4 : vector<64xf32> to vector<64x1xf32>
    %argmax3A = tpu.reduce_index %slice3A {axis = 1 : i32, kind = #tpu.reduction_kind<arg_max>} : vector<64x30522xf32> -> vector<64xi32>
    %broadcast_in_dim3A_5 = vector.shape_cast %argmax3A : vector<64xi32> to vector<64x1xi32>
    %slice3A_6 = vector.extract_strided_slice %get3A_3 {offsets = [0, 30522], sizes = [64, 1], strides = [1, 1]} : vector<64x30523xf32> to vector<64x1xf32>
    %max3A = arith.maximumf %broadcast_in_dim3A, %slice3A_6 : vector<64x1xf32>
    %sub3A = vector.broadcast %max3A : vector<64x1xf32> to vector<64x30523xf32>
    %sub3A_7 = arith.subf %get3A_3, %sub3A : vector<64x30523xf32>
    %exp3A = math.exp %sub3A_7 : vector<64x30523xf32>
    %reduce_sum3A = arith.constant dense<0.000000e+00> : vector<64xf32>
    %reduce_sum3A_8 = vector.multi_reduction <add>, %exp3A, %reduce_sum3A [1] : vector<64x30523xf32> to vector<64xf32>
    %broadcast_in_dim3A_9 = vector.shape_cast %reduce_sum3A_8 : vector<64xf32> to vector<64x1xf32>
    %mul3A = arith.constant 64 : i32
    %mul3A_10 = arith.muli %arg0, %mul3A : i32
    %iota3A = tpu.iota {dimensions = array<i32: 0>} : vector<64x1xi32>
    %add3A = vector.broadcast %mul3A_10 : i32 to vector<64x1xi32>
    %add3A_11 = arith.addi %add3A, %iota3A : vector<64x1xi32>
    %lt3A = arith.constant 900 : i32
    %lt3A_12 = vector.broadcast %lt3A : i32 to vector<64x1xi32>
    %lt3A_13 = arith.cmpi slt, %add3A_11, %lt3A_12 : vector<64x1xi32>
    %sub3A_14 = arith.subf %broadcast_in_dim3A, %max3A : vector<64x1xf32>
    %exp3A_15 = math.exp %sub3A_14 : vector<64x1xf32>
    %div3A = arith.divf %exp3A_15, %broadcast_in_dim3A_9 : vector<64x1xf32>
    %jit3A = arith.constant -1.000000e+00 : f32
    %broadcast_in_dim3A_16 = vector.broadcast %jit3A : f32 to vector<64x1xf32>
    %select_n3A = arith.select %lt3A_13, %div3A, %broadcast_in_dim3A_16 : vector<64x1xi1>, vector<64x1xf32>
    %swap3A = arith.constant 0 : index
    %swap3A_17 = arith.constant 0 : index
    %swap3A_18 = vector.load %arg4[%swap3A, %swap3A_17] : memref<64x1xf32, #tpu.memory_space<vmem>>, vector<64x1xf32>
    tpu.vector_store %arg4[%swap3A, %swap3A_17], %select_n3A {strides = array<i32>} : memref<64x1xf32, #tpu.memory_space<vmem>>, vector<64x1xf32>,
    %get3A_19 = arith.constant 0 : index
    %get3A_20 = arith.constant 0 : index
    %get3A_21 = arith.constant 0 : index
    %get3A_22 = vector.load %arg3[%get3A_19, %get3A_20, %get3A_21] : memref<1x64x4xf32, #tpu.memory_space<vmem>>, vector<1x64x4xf32>
    %get3A_23 = vector.shape_cast %get3A_22 : vector<1x64x4xf32> to vector<64x4xf32>
    %slice3A_24 = vector.extract_strided_slice %get3A_23 {offsets = [0, 0], sizes = [64, 1], strides = [1, 1]} : vector<64x4xf32> to vector<64x1xf32>
    %slice3A_25 = vector.extract_strided_slice %get3A_23 {offsets = [0, 1], sizes = [64, 1], strides = [1, 1]} : vector<64x4xf32> to vector<64x1xf32>
    %slice3A_26 = vector.extract_strided_slice %get3A_23 {offsets = [0, 2], sizes = [64, 1], strides = [1, 1]} : vector<64x4xf32> to vector<64x1xf32>
    %slice3A_27 = vector.extract_strided_slice %get3A_23 {offsets = [0, 3], sizes = [64, 1], strides = [1, 1]} : vector<64x4xf32> to vector<64x1xf32>
    %mul3A_28 = arith.constant 5.000000e-01 : f32
    %mul3A_29 = vector.broadcast %mul3A_28 : f32 to vector<64x1xf32>
    %mul3A_30 = arith.mulf %mul3A_29, %slice3A_26 : vector<64x1xf32>
    %sub3A_31 = arith.subf %slice3A_24, %mul3A_30 : vector<64x1xf32>
    %mul3A_32 = arith.constant 5.000000e-01 : f32
    %mul3A_33 = vector.broadcast %mul3A_32 : f32 to vector<64x1xf32>
    %mul3A_34 = arith.mulf %mul3A_33, %slice3A_27 : vector<64x1xf32>
    %sub3A_35 = arith.subf %slice3A_25, %mul3A_34 : vector<64x1xf32>
    %mul3A_36 = arith.constant 5.000000e-01 : f32
    %mul3A_37 = vector.broadcast %mul3A_36 : f32 to vector<64x1xf32>
    %mul3A_38 = arith.mulf %mul3A_37, %slice3A_26 : vector<64x1xf32>
    %add3A_39 = arith.addf %slice3A_24, %mul3A_38 : vector<64x1xf32>
    %mul3A_40 = arith.constant 5.000000e-01 : f32
    %mul3A_41 = vector.broadcast %mul3A_40 : f32 to vector<64x1xf32>
    %mul3A_42 = arith.mulf %mul3A_41, %slice3A_27 : vector<64x1xf32>
    %add3A_43 = arith.addf %slice3A_25, %mul3A_42 : vector<64x1xf32>
    %concatenate3A = tpu.concatenate %sub3A_31, %sub3A_35, %add3A_39, %add3A_43 in 1 : vector<64x1xf32>, vector<64x1xf32>, vector<64x1xf32>, vector<64x1xf32> -> vector<64x4xf32>
    %sub3A_44 = arith.subf %slice3A_6, %max3A : vector<64x1xf32>
    %exp3A_45 = math.exp %sub3A_44 : vector<64x1xf32>
    %div3A_46 = arith.divf %exp3A_45, %broadcast_in_dim3A_9 : vector<64x1xf32>
    %sub3A_47 = arith.constant 1.000000e+00 : f32
    %sub3A_48 = vector.broadcast %sub3A_47 : f32 to vector<64x1xf32>
    %sub3A_49 = arith.subf %sub3A_48, %div3A_46 : vector<64x1xf32>
    %broadcast_in_dim3A_50 = arith.constant 0.000000e+00 : f32
    %broadcast_in_dim3A_51 = vector.broadcast %broadcast_in_dim3A_50 : f32 to vector<64x122xf32>
    %get3A_52 = arith.constant 0 : index
    %get3A_53 = arith.constant 0 : index
    %get3A_54 = vector.load %arg1[%get3A_52, %get3A_53] : memref<1x4xf32, #tpu.memory_space<vmem>>, vector<1x4xf32>
    %mul3A_55 = vector.broadcast %get3A_54 : vector<1x4xf32> to vector<64x4xf32>
    %mul3A_56 = arith.mulf %concatenate3A, %mul3A_55 : vector<64x4xf32>
    %convert_element_type3A = arith.sitofp %broadcast_in_dim3A_5 : vector<64x1xi32> to vector<64x1xf32>
    %concatenate3A_57 = tpu.concatenate %sub3A_49, %mul3A_56, %convert_element_type3A, %broadcast_in_dim3A_51 in 1 : vector<64x1xf32>, vector<64x4xf32>, vector<64x1xf32>, vector<64x122xf32> -> vector<64x128xf32>
    %jit3A_58 = arith.constant 0.000000e+00 : f32
    %broadcast_in_dim3A_59 = vector.shape_cast %lt3A_13 : vector<64x1xi1> to vector<64x1xi1>
    %broadcast_in_dim3A_60 = vector.broadcast %broadcast_in_dim3A_59 : vector<64x1xi1> to vector<64x128xi1>
    %broadcast_in_dim3A_61 = vector.broadcast %jit3A_58 : f32 to vector<64x128xf32>
    %select_n3A_62 = arith.select %broadcast_in_dim3A_60, %concatenate3A_57, %broadcast_in_dim3A_61 : vector<64x128xi1>, vector<64x128xf32>
    %swap3A_63 = arith.constant 0 : index
    %swap3A_64 = arith.constant 0 : index
    %swap3A_65 = vector.load %arg5[%swap3A_63, %swap3A_64] : memref<64x128xf32, #tpu.memory_space<vmem>>, vector<64x128xf32>
    tpu.vector_store %arg5[%swap3A_63, %swap3A_64], %select_n3A_62 {strides = array<i32>} : memref<64x128xf32, #tpu.memory_space<vmem>>, vector<64x128xf32>,
    return
  }
  func.func @transform_0(%arg0: i32) -> (i32, i32) {
    %c0_i32 = arith.constant 0 : i32
    %c0_i32_0 = arith.constant 0 : i32
    %c0_i32_1 = arith.constant 0 : i32
    return %c0_i32, %c0_i32_0 : i32, i32
  }
  func.func @transform_1(%arg0: i32) -> (i32, i32, i32) {
    %c0_i32 = arith.constant 0 : i32
    %c0_i32_0 = arith.constant 0 : i32
    %c0_i32_1 = arith.constant 0 : i32
    return %c0_i32, %arg0, %c0_i32_0 : i32, i32, i32
  }
  func.func @transform_2(%arg0: i32) -> (i32, i32, i32) {
    %c0_i32 = arith.constant 0 : i32
    %c0_i32_0 = arith.constant 0 : i32
    %c0_i32_1 = arith.constant 0 : i32
    return %c0_i32, %arg0, %c0_i32_0 : i32, i32, i32
  }
  func.func @transform_3(%arg0: i32) -> (i32, i32) {
    %c0_i32 = arith.constant 0 : i32
    %c0_i32_0 = arith.constant 0 : i32
    return %arg0, %c0_i32 : i32, i32
  }
  func.func @transform_4(%arg0: i32) -> (i32, i32) {
    %c0_i32 = arith.constant 0 : i32
    %c0_i32_0 = arith.constant 0 : i32
    return %arg0, %c0_i32 : i32, i32
  }
}

</mosaic_0001>

<sc_bundles>
// kernel: kernel.4.cloned.1.call-start
scs
__scs_entry_jumppad:
0x0: {  	(pc) =	sbr.rel $0x88, $3  }
0x1: {  	(tag) =	ssettag $0x0;
	lr =	simm.s32 $0x1  }
0x2: {  	[smem:$0x3F9D] =	sst lr;
	_ =	strace $0xD0000000  }
0x3: {  	_ = 	snop  }
0x4: {  	_ = 	snop  }
0x5: {  	_ = 	snop  }
0x6: {  	_ = 	snop  }
0x7: {  	_ = 	snop  }
__scs_overlays_trampoline_lowered:
0x8: {  	[smem:$0x3FAC] =	sst s0  }
0x9: {  	[smem:$0x3FAD] =	sst s1  }
0xa: {  	[smem:$0x3FAE] =	sst s2  }
0xb: {  	[smem:$0x3FAF] =	sst s3  }
0xc: {  	[smem:$0x3FB0] =	sst s4  }
0xd: {  	[smem:$0x3FB1] =	sst s5  }
0xe: {  	[smem:$0x3FB2] =	sst s6  }
0xf: {  	[smem:$0x3FB3] =	sst s7  }
0x10: {  	[smem:$0x3FB4] =	sst s8  }
0x11: {  	[smem:$0x3FB5] =	sst s9;
	s0 =	simm.s32 @!p0 $0x0  }
0x12: {  	s1 =	sld [smem:$0x3F9B];
	s0 =	simm.s32 @p0 $0x1  }
0x13: {  	[smem:$0x3FB6] =	sst s0;
	s0 =	simm.s32 @!p1 $0x0  }
0x14: {  	s2 =	sld [smem:$0x3F9A];
	s0 =	simm.s32 @p1 $0x1  }
0x15: {  	[smem:$0x3FB7] =	sst s0;
	s0 =	simm.s32 @!p2 $0x0  }
0x16: {  	s3 =	sld [smem:$0x3FDB];
	s0 =	simm.s32 @p2 $0x1  }
0x17: {  	s4 =	simm.s32 $0x1BF5;
	[smem:$0x3FB9] =	sst s0  }
0x18: {  	s0 =	sld [smem:$0x3F9C];
	_ =	swait.ge [sflag:s4], $0x0  }
0x19: {  	s7 =	sld [smem:$0x3F9D]  }
0x1a: {  	s8 =	sadd.s32 $0xFFFFE003, lr  }
0x1b: {  	s9 =	sadd.s32 $0xFFFFFEF7, lr;
	s5 =	simm.s32 $0xFFFFFFFF;
	p2 =	slt.u32 s8, $0xFFFFF086  }
0x1c: {  	p1 =	slt.u32 s9, $0xF7A;
	s5 =	simm.s32 @!p2 $0x0  }
0x1d: {  	s5 =	simm.s32 @p1 $0x1;
	p0 =	seq.s32 s7, s2  }
0x1e: {  	s7 =	smul.u32 @!p0 $0xF7A, s2;
	p2 =	seq.s32 @!p0 s5, $0x0  }
0x1f: {  	s9 =	smul.u32 $0xF7A, s1;
	s8 =	simm.s32 @!p0 $0x1BF5;
	p2 =	por !p2, p0  }
0x20: {  	[sflag:s8] =	ssyncset.s32 @!p0 $0xFFFFF086;
	s6 =	sadd.s32 @!p0 s3, s7;
	s7 =	simm.s32 @!p0 $0x108  }
0x21: {  	s3 =	sadd.s32 s3, s9;
	s6 =	sadd.s32 @!p0 $0x88, s6;
	s7 =	simm.s32 @p2 $0x1082  }
0x22: {  	[simem:s7], [sflag:s8] =	dma.local @!p0 [hbm:s6], $0xF7A  }
0x23: {  	s9 =	sor.u32 $0xD0000000, s2;
	s6 =	simm.s32 $0x108;
	_ =	swait.ge @!p0 [sflag:s8], $0x0  }
0x24: {  	s3 =	sadd.s32 $0x88, s3;
	s6 =	simm.s32 @!p1 $0x1082;
	[sflag:s4] =	ssyncset.s32 $0xFFFFF086  }
0x25: {  	[simem:s6], [sflag:s4] =	dma.local [hbm:s3], $0xF7A  }
0x26: {  	[smem:$0x3F9D] =	sst s1;
	(tag) =	ssettag s2;
	_ =	strace s9  }
0x27: {  	s1 =	sld [smem:$0x3FAD]  }
0x28: {  	s2 =	sld [smem:$0x3FAE]  }
0x29: {  	s4 =	sld [smem:$0x3FB0]  }
0x2a: {  	p0 =	seq.s32 s5, $0x0;
	s5 =	sld [smem:$0x3FB1]  }
0x2b: {  	s6 =	sld [smem:$0x3FB2]  }
0x2c: {  	s7 =	sld [smem:$0x3FB3]  }
0x2d: {  	s3 =	simm.s32 $0x108;
	s8 =	sld [smem:$0x3FB4]  }
0x2e: {  	s3 =	simm.s32 @!p0 $0x1082;
	s9 =	sld [smem:$0x3FB5]  }
0x2f: {  	lr =	sadd.s32 s0, s3;
	s0 =	sld [smem:$0x3FAC]  }
0x30: {  	s3 =	sld [smem:$0x3FAF]  }
0x31: {  	[smem:$0x3FB8] =	sst s10  }
0x32: {  	s10 =	sld [smem:$0x3FB6];
	_ =	sdelay $0x3  }
0x33: {  	p0 =	seq.s32 s10, $0x1;
	s10 =	sld [smem:$0x3FB8];
	_ =	sdelay $0x3  }
0x34: {  	[smem:$0x3FB8] =	sst s10  }
0x35: {  	s10 =	sld [smem:$0x3FB7];
	_ =	sdelay $0x3  }
0x36: {  	p1 =	seq.s32 s10, $0x1;
	s10 =	sld [smem:$0x3FB8];
	_ =	sdelay $0x3  }
0x37: {  	[smem:$0x3FB8] =	sst s10  }
0x38: {  	s10 =	sld [smem:$0x3FB9]  }
0x39: {  	_ = 	snop;
	(pc) =	sbr.ind lr, $3  }
0x3a: {  	_ = 	snop  }
0x3b: {  	_ = 	snop  }
0x3c: {  	p2 =	seq.s32 s10, $0x1;
	s10 =	sld [smem:$0x3FB8]  }
0x3d: {  	_ =	shalt  }
0x3e: {  	_ =	shalt  }
0x3f: {  	_ =	shalt  }
0x40: {  	_ =	shalt  }
0x41: {  	_ =	shalt  }
0x42: {  	_ =	shalt  }
0x43: {  	_ =	shalt  }
0x44: {  	_ =	shalt  }
0x45: {  	_ =	shalt  }
0x46: {  	_ =	shalt  }
0x47: {  	_ =	shalt  }
0x48: {  	_ =	shalt  }
0x49: {  	_ =	shalt  }
0x4a: {  	_ =	shalt  }
0x4b: {  	_ =	shalt  }
0x4c: {  	_ =	shalt  }
0x4d: {  	_ =	shalt  }
0x4e: {  	_ =	shalt  }
0x4f: {  	_ =	shalt  }
0x50: {  	_ =	shalt  }
0x51: {  	_ =	shalt  }
0x52: {  	_ =	shalt  }
0x53: {  	_ =	shalt  }
0x54: {  	_ =	shalt  }
0x55: {  	_ =	shalt  }
0x56: {  	_ =	shalt  }
0x57: {  	_ =	shalt  }
0x58: {  	_ =	shalt  }
0x59: {  	_ =	shalt  }
0x5a: {  	_ =	shalt  }
0x5b: {  	_ =	shalt  }
0x5c: {  	_ =	shalt  }
0x5d: {  	_ =	shalt  }
0x5e: {  	_ =	shalt  }
0x5f: {  	_ =	shalt  }
0x60: {  	_ =	shalt  }
0x61: {  	_ =	shalt  }
0x62: {  	_ =	shalt  }
0x63: {  	_ =	shalt  }
0x64: {  	_ =	shalt  }
0x65: {  	_ =	shalt  }
0x66: {  	_ =	shalt  }
0x67: {  	_ =	shalt  }
0x68: {  	_ =	shalt  }
0x69: {  	_ =	shalt  }
0x6a: {  	_ =	shalt  }
0x6b: {  	_ =	shalt  }
0x6c: {  	_ =	shalt  }
0x6d: {  	_ =	shalt  }
0x6e: {  	_ =	shalt  }
0x6f: {  	_ =	shalt  }
0x70: {  	_ =	shalt  }
0x71: {  	_ =	shalt  }
0x72: {  	_ =	shalt  }
0x73: {  	_ =	shalt  }
0x74: {  	_ =	shalt  }
0x75: {  	_ =	shalt  }
0x76: {  	_ =	shalt  }
0x77: {  	_ =	shalt  }
0x78: {  	_ =	shalt  }
0x79: {  	_ =	shalt  }
0x7a: {  	_ =	shalt  }
0x7b: {  	_ =	shalt  }
0x7c: {  	_ =	shalt  }
0x7d: {  	_ =	shalt  }
0x7e: {  	_ =	shalt  }
0x7f: {  	_ =	shalt  }
0x80: {  	_ =	shalt  }
0x81: {  	_ =	shalt  }
0x82: {  	_ =	shalt  }
0x83: {  	_ =	shalt  }
0x84: {  	_ =	shalt  }
0x85: {  	_ =	shalt  }
0x86: {  	_ =	shalt  }
0x87: {  	_ =	shalt  }
.Lfunc_end0:
.L_simem_size_0:
called_computation_lowered:
.L_overlay_start_0:
0x88: {  	s2 =	sld [smem:$0x3FD9]  }
0x89: {  	s3 =	sld [smem:$0x3FFE];
	_ =	sdelay $0x1  }
0x8a: {  	s1 =	srdreg.scid  }
0x8b: {  	s0 =	sand.u32 $0x1, s1  }
0x8c: {  	s14 =	sshll.u32 s0, $0xA;
	s2 =	sadd.s32 s3, s2  }
0x8d: {  	s2 =	sadd.s32 s2, s14  }
0x8e: {  	[smem:$0x3FC4] =	sst s2  }
0x8f: {  	_ = 	snop  }
0x90: {  	s2 =	sld [smem:$0x3FD0];
	_ =	sdelay $0x2  }
0x91: {  	s15 =	simm.s32 $0xA;
	s4 =	simm.s32 $0x10  }
0x92: {  	[smem:s4], [sflag:s15] =	dma.local [hbm:s2], $0x1  }
0x93: {  	_ =	swait.eq [sflag:s15], $0x1  }
0x94: {  	[sflag:s15] =	ssyncset.done $0x0  }
0x95: {  	[sflag:s15] =	ssyncadd.s32 $0xFFFFFFFF  }
0x96: {  	s16 =	sld [smem:$0x14];
	(tm) =	ssettm $0x1  }
0x97: {  	s17 =	sld [smem:$0x3FFB];
	_ =	sdelay $0x3  }
0x98: {  	_ =	strace s17  }
0x99: {  	s3 =	sld [smem:$0x3FFC];
	_ =	sdelay $0x3  }
0x9a: {  	_ =	strace s3  }
0x9b: {  	s3 =	sld [smem:$0x3FFD];
	_ =	sdelay $0x3  }
0x9c: {  	_ =	strace s3  }
0x9d: {  	_ =	strace $0x8FFFFFFF  }
0x9e: {  	s18 =	sld [smem:$0x3FDB];
	_ =	sdelay $0x1  }
0x9f: {  	s19 =	simm.s32 $_scs_section_size  }
0xa0: {  	s5 =	simm.s32 $_size__tile_overlayer_lowered;
	s6 =	simm.s32 $_tile_overlayer_lowered  }
0xa1: {  	s22 =	simm.s32 $0x1BFF;
	s21 =	sshll.u32 s6, $0x1;
	s3 =	sadd.s32 s19, s18  }
0xa2: {  	s7 =	simm.s32 $0x0;
	s20 =	sshll.u32 s5, $0x1;
	s5 =	sadd.s32 s21, s3  }
0xa3: {  	[timem:s7], [sflag:s22] =	dma.local [hbm:s5], s20  }
0xa4: {  	_ =	swait.ge [sflag:s22], s20  }
0xa5: {  	s4 =	ssub.s32 $0x0, s20;
	[sflag:s22] =	ssyncset.done $0x0  }
0xa6: {  	[sflag:s22] =	ssyncadd.s32 s4;
	_ =	sdelay $0x1  }
0xa7: {  	s23 =	simm.s32 $0x1B8B  }
0xa8: {  	_ =	swait.ge [sflag:s23], $0x1  }
0xa9: {  	[sflag:s23] =	ssyncset.done $0x0  }
0xaa: {  	s25 =	simm.s32 $0x1B8E;
	s24 =	sld [smem:$0x3FFE];
	[sflag:s23] =	ssyncadd.s32 $0xFFFFFFFF  }
0xab: {  	s26 =	simm.s32 $execute0_lowered;
	[smem:$0x3FD2] =	sst s25  }
0xac: {  	s5 =	sshll.u32 s26, $0x1;
	_ =	strace $0x80000046;
	[dreg:$0x1] =	wrdreg $0xFFFFFFFF  }
0xad: {  	s28 =	simm.s32 $_size_execute0_lowered;
	s3 =	sadd.s32 s3, s5;
	[dreg:$0x0] =	wrdreg $0x0  }
0xae: {  	s5 =	sshll.u32 s28, $0x1;
	[dreg:$0x2] =	wrdreg s3  }
0xaf: {  	[dreg:$0x3] =	wrdreg s5  }
0xb0: {  	[dreg:$0x4] =	wrdreg $0xC0  }
0xb1: {  	_ =	task [dreg:s7], $0x5FFFF  }
0xb2: {  	[dreg:$0x1] =	wrdreg $0xFFFFFFFF  }
0xb3: {  	[dreg:$0x0] =	wrdreg $0x60  }
0xb4: {  	[dreg:$0x2] =	wrdreg s24  }
0xb5: {  	[dreg:$0x3] =	wrdreg s16  }
0xb6: {  	[dreg:$0x4] =	wrdreg $0x9  }
0xb7: {  	_ =	task.clear_ibuf [dreg:s7], $0x5FFFF;
	_ =	strace $0x90000046  }
0xb8: {  	s29 =	simm.s32 $0x9;
	_ =	strace $0x80000048  }
0xb9: {  	_ =	swait.ge [sflag:s29], $0x1  }
0xba: {  	[sflag:s29] =	ssyncadd.s32 $0xFFFFFFFF  }
0xbb: {  	_ =	strace $0x90000048  }
0xbc: {  	_ =	sfence  }
0xbd: {  	s30 =	sld [smem:$0x0];
	_ =	sdelay $0x2  }
0xbe: {  	s31 =	sshll.u32 s1, $0xD;
	s1 =	sshrl.u32 s1, $0x2  }
0xbf: {  	s3 =	sand.u32 $0x4000, s31;
	s1 =	sadd.s32 s1, s30  }
0xc0: {  	s0 =	sor.u32 s3, s0;
	s1 =	sshll.u32 s1, $0x11  }
0xc1: {  	s0 =	sor.u32 s1, s0  }
0xc2: {  	s0 =	sadd.s32 $0x8F2B, s0  }
0xc3: {  	[sflag:s0] =	ssyncadd.remote.s32 $0x1  }
0xc4: {  	_ =	sfence.sel $0xFFFF  }
0xc5: {  	[dreg:$0x0] =	wrdreg $0xFFFFFFFF;
	(pc) =	sbr.abs _section_cstart, $3  }
0xc6: {  	[dreg:$0x1] =	wrdreg $0xFFFFFFFF  }
0xc7: {  	_ =	task.clear_ibuf [dreg:s7], $0x2FFFF;
	_ =	strace $0x9FFFFFFF  }
0xc8: {  	(tm) =	ssettm $0x7FFFFFFF  }
0xc9: {  	_ =	shalt  }
tec
execute0_lowered:
.L_overlay_start_1:
0x0: {  	(tag) =	ssettag $0x1  }
0x1: {  	s6 =	rddreg [dreg:$0x0]  }
0x2: {  	s1 =	rddreg [dreg:$0x1]  }
0x3: {  	s0 =	rddreg [dreg:$0x2];
	s2 =	srdreg.scid;
	_ =	strace $0x80000047  }
0x4: {  	s16 =	simm.s32 $0x0;
	s19 =	simm.s32 $0x400;
	s20 =	simm.s32 $0x500  }
0x5: {  	s21 =	simm.s32 $0x1;
	s22 =	simm.s32 $0x480;
	s23 =	simm.s32 $0x1500  }
0x6: {  	s24 =	simm.s32 $0x1D00;
	s25 =	simm.s32 $0x2500;
	s26 =	simm.s32 $0x2D00  }
0x7: {  	s28 =	simm.s32 $0x0;
	s3 =	sadd.s32 $0x4200, s6;
	s8 =	sand.u32 $0x1, s2  }
0x8: {  	s4 =	sadd.s32 $0x200, s6;
	s2 =	stileid.u32;
	s5 =	sadd.s32 $0x34C200, s6  }
0x9: {  	s6 =	sadd.s32 $0x4400, s6;
	s7 =	ssub.s32 $0x2, s8;
	s10 =	sshll.u32 s2, $0x1  }
0xa: {  	s31 =	sshll.u32 s2, $0x2;
	s11 =	sshll.u32 s8, $0x1;
	s12 =	sshll.u32 s2, $0x8  }
0xb: {  	s13 =	sshll.u32 s8, $0x7;
	p2 =	sgt.u32 s2, $0xD;
	s9 =	sshrl.u32 s7, $0x1  }
0xc: {  	s17 =	sor.u32 s8, s10;
	s14 =	sor.u32 s31, s11;
	s13 =	sor.u32 s13, s12  }
0xd: {  	v5 =	vlaneseq.u32;
	vm8 =	vcmask $0x3F04;
	s9 =	ssub.s32 s7, s9;
	s7 =	sshll.u32 s17, $0x5;
	s18 =	sshllo.u32 s17, $0x1  }
.Ltmp0:
0xe: {  	v2 =	vimm.s32 $0x0;
	vm9 =	vcmask $0x3F08;
	vm10 =	vcmask $0x3F0C;
	s10 =	smax.u32 s14, $0x1;
	s12 =	sor.u32 $0x40, s13;
	(pc) =	sbr.rel .LBB2_1-.Ltmp0, $4  }
0xf: {  	vm11 =	vcmask $0x3F10;
	v3 =	vimm.s32 $0x0;
	s11 =	ssub.s32 $0x38, s14;
	s15 =	sadd.s32 $0x80, s13;
	s13 =	sor.u32 $0x1, s14;
	v0 =	vor.u32 s7, v5  }
0x10: {  	vm1 =	vmmov $0xffff;
	v4 =	vshrl.u32 v5, $0x3;
	s14 =	ssub.s32 $0x37, s14;
	p0 =	seq.s32 s17, $0x0;
	s8 =	sor.u32 $0x10, s7;
	vm0 =	vlt.u32 v0, $0x384  }
0x11: {  	v4 =	vmul.u32 $0x8, v4;
	s17 =	simm.s32 $0x2;
	s9 =	smax.u32 s9, $0x1;
	s12 =	sshrl.u32 s12, $0x2;
	v1 =	vor.u32 s8, v5;
	v3 =	vsel vm0, $0xFFFFFFFF, v3  }
0x12: {  	s15 =	sshrl.u32 s15, $0x2;
	p1 =	sgt.u32 s18, $0x38;
	s18 =	simm.s32 $0x20;
	vm0 =	vlt.u32 v1, $0x384;
	[tilespmem:$0x1FFF0] =	vst v3;
	v3 =	vand.u32 $0x7, v5;
	v5 =	vor.u32 $0x8, v5  }
.LBB2_12:
0x13: {  	vm8 =	vmmov vm12  }
0x14: {  	vm9 =	vmmov vm13;
	vm10 =	vmmov vm14;
	vm11 =	vmmov vm15  }
.LBB2_16:
0x15: {  	vm2 =	vlt.s32 v8, $0x70  }
0x16: {  	vm2 =	vmand vm0, vm2  }
0x17: {  	v6 =	vnsel vm2, $0x0, v1  }
0x18: {  	v7 =	vnsel vm2, $0x7F, v8;
	[tilespmem:$0x410] =	vst v6  }
0x19: {  	[tilespmem:$0x490] =	vst v7  }
0x1a: {  	[tilespmem:s20], [sflag:$0x1] =	stream.indirect.gather [hbm4b:s4+s18], $0x80, s19, s18, $0xb8;
	[tilespmem:$0x3500] =	vst v63  }
0x1b: {  	_ =	swait.ge [sflag:s21], $0x1000  }
0x1c: {  	[sflag:s21] =	ssyncset.done $0x0  }
0x1d: {  	[sflag:s21] =	ssyncadd.s32 $0xFFFFF000  }
0x1e: {  	[hbm4b:s1+s18] =	stream.indirect.scatter [tilespmem:s20], [sflag:$0x1], $0x80, s22, s18, $0xb8;
	[tilespmem:$0x3500] =	vst v63  }
0x1f: {  	_ =	swait.ge [sflag:s21], $0x1000  }
0x20: {  	[sflag:s21] =	ssyncset.done $0x0  }
0x21: {  	[sflag:s21] =	ssyncadd.s32 $0xFFFFF000  }
0x22: {  	v6 =	vld [tilespmem:$0x400];
	_ =	sdelay $0x4  }
0x23: {  	v7 =	vshll.u32 v6, $0x1  }
0x24: {  	v6 =	vand.u32 $0x7, v6;
	v7 =	vand.u32 $0xFFFFFFF0, v7  }
0x25: {  	v6 =	vor.u32 v6, v7  }
0x26: {  	v7 =	vperm.xlane v6, v3;
	_ =	sdelay $0x1  }
0x27: {  	v6 =	vperm.xlane v6, v5;
	v7 =	vadd.s32 v4, v7;
	_ =	sdelay $0x1  }
0x28: {  	v6 =	vadd.s32 v4, v6;
	_ =	sdelay $0x2  }
0x29: {  	[tilespmem:s23], [sflag:$0x1] =	stream.indirect_vreg.gather [hbm4b:s5+s16], $0x80, v7, vm1, $0xb8;
	[tilespmem:$0x3500] =	vst v63  }
0x2a: {  	_ = 	snop  }
0x2b: {  	[tilespmem:s24], [sflag:$0x1] =	stream.indirect_vreg.gather [hbm4b:s5+s16], $0x80, v6, vm1, $0xb8;
	[tilespmem:$0x3500] =	vst v63  }
0x2c: {  	v6 =	vld [tilespmem:$0x410];
	_ =	sdelay $0x4  }
0x2d: {  	v7 =	vshll.u32 v6, $0x1  }
0x2e: {  	v6 =	vand.u32 $0x7, v6;
	v7 =	vand.u32 $0xFFFFFFF0, v7  }
0x2f: {  	v6 =	vor.u32 v6, v7  }
0x30: {  	v7 =	vperm.xlane v6, v3;
	_ =	sdelay $0x1  }
0x31: {  	v6 =	vperm.xlane v6, v5;
	v7 =	vadd.s32 v4, v7;
	_ =	sdelay $0x1  }
0x32: {  	v6 =	vadd.s32 v4, v6;
	_ =	sdelay $0x2  }
0x33: {  	[tilespmem:s25], [sflag:$0x1] =	stream.indirect_vreg.gather [hbm4b:s5+s16], $0x80, v7, vm1, $0xb8;
	[tilespmem:$0x3500] =	vst v63  }
0x34: {  	_ = 	snop  }
0x35: {  	[tilespmem:s26], [sflag:$0x1] =	stream.indirect_vreg.gather [hbm4b:s5+s16], $0x80, v6, vm1, $0xb8;
	[tilespmem:$0x3500] =	vst v63  }
0x36: {  	_ =	swait.ge [sflag:s21], $0x2000  }
0x37: {  	[sflag:s21] =	ssyncset.done $0x0  }
0x38: {  	[sflag:s21] =	ssyncadd.s32 $0xFFFFE000  }
0x39: {  	v6 =	vld [tilespmem:$0x480];
	_ =	sdelay $0x4  }
0x3a: {  	v7 =	vshll.u32 v6, $0x1  }
0x3b: {  	v6 =	vand.u32 $0x7, v6;
	v7 =	vand.u32 $0xFFFFFFF0, v7  }
0x3c: {  	v6 =	vor.u32 v6, v7  }
0x3d: {  	v7 =	vperm.xlane v6, v3;
	_ =	sdelay $0x1  }
0x3e: {  	v6 =	vperm.xlane v6, v5;
	v7 =	vadd.s32 v4, v7;
	_ =	sdelay $0x1  }
0x3f: {  	v6 =	vadd.s32 v4, v6;
	_ =	sdelay $0x2  }
0x40: {  	[hbm4b:s6+s16] =	stream.indirect_vreg.scatter [tilespmem:s23], [sflag:$0x1], $0x80, v7, vm1, $0xb8;
	[tilespmem:$0x3500] =	vst v63  }
0x41: {  	_ = 	snop  }
0x42: {  	[hbm4b:s6+s16] =	stream.indirect_vreg.scatter [tilespmem:s24], [sflag:$0x1], $0x80, v6, vm1, $0xb8;
	[tilespmem:$0x3500] =	vst v63  }
0x43: {  	v6 =	vld [tilespmem:$0x490];
	_ =	sdelay $0x4  }
0x44: {  	v7 =	vshll.u32 v6, $0x1  }
0x45: {  	v6 =	vand.u32 $0x7, v6;
	v7 =	vand.u32 $0xFFFFFFF0, v7  }
0x46: {  	v6 =	vor.u32 v6, v7  }
0x47: {  	v7 =	vperm.xlane v6, v3;
	_ =	sdelay $0x1  }
0x48: {  	v6 =	vperm.xlane v6, v5;
	v7 =	vadd.s32 v4, v7;
	_ =	sdelay $0x1  }
0x49: {  	v6 =	vadd.s32 v4, v6  }
0x4a: {  	s28 =	sadd.s32 $0x1, s28  }
0x4b: {  	p3 =	sne.s32 s28, s9  }
0x4c: {  	[hbm4b:s6+s16] =	stream.indirect_vreg.scatter [tilespmem:s25], [sflag:$0x1], $0x80, v7, vm1, $0xb8;
	[tilespmem:$0x3500] =	vst v63  }
.Ltmp1:
0x4d: {  	_ = 	snop;
	(pc) =	sbr.rel @!p3 .LBB2_17-.Ltmp1, $4  }
0x4e: {  	[hbm4b:s6+s16] =	stream.indirect_vreg.scatter [tilespmem:s26], [sflag:$0x1], $0x80, v6, vm1, $0xb8;
	[tilespmem:$0x3500] =	vst v63  }
0x4f: {  	_ =	swait.ge [sflag:s21], $0x2000  }
0x50: {  	[sflag:s21] =	ssyncset.done $0x0  }
0x51: {  	[sflag:s21] =	ssyncadd.s32 $0xFFFFE000  }
.LBB2_1:
0x52: {  	[tilespmem:s16], [sflag:$0x2] =	stream.linear.gather [hbm4b:s3+s16], $0x400, $0x38;
	[tilespmem:$0x3500] =	vst v63  }
0x53: {  	_ =	swait.ge [sflag:s17], $0x400  }
0x54: {  	[sflag:s17] =	ssyncset.done $0x0  }
.Ltmp2:
0x55: {  	[sflag:s17] =	ssyncadd.s32 $0xFFFFFC00;
	(pc) =	sbr.rel @p0 .LBB2_5-.Ltmp2, $2  }
0x56: {  	v6 =	vld [tilespmem:s7+$0x0];
	_ =	sdelay $0x2  }
0x57: {  	v7 =	vimm.s32 $0x0  }
0x58: {  	v7 =	vld [tilespmem:s16+$0x0];
	_ =	sdelay $0x4  }
0x59: {  	v8 =	vbroadcast v7, $0x0  }
0x5a: {  	v9 =	vbroadcast v7, $0x2;
	v10 =	vbroadcast v7, $0x3  }
0x5b: {  	v11 =	vbroadcast v7, $0x4;
	v13 =	vbroadcast v7, $0x1  }
0x5c: {  	v62 =	vbroadcast v7, $0x7;
	v15 =	vbroadcast v7, $0x8  }
0x5d: {  	v63 =	vbroadcast v7, $0x9;
	v16 =	vbroadcast v7, $0xA;
	vm2 =	vge.f32 v8, v6  }
0x5e: {  	v8 =	vbroadcast v7, $0x5;
	vm4 =	vge.f32 v10, v6;
	vm5 =	vge.f32 v11, v6  }
0x5f: {  	v12 =	vsel vm2, $0x1, v2;
	vm2 =	vge.f32 v9, v6;
	v10 =	vsel vm4, $0x1, v2  }
0x60: {  	v11 =	vsel vm5, $0x1, v2;
	vm4 =	vge.f32 v13, v6;
	vm3 =	vge.f32 v8, v6  }
0x61: {  	v8 =	vbroadcast v7, $0x6;
	v12 =	vadd.s32 v12, v2;
	v13 =	vsel vm4, $0x1, v2  }
0x62: {  	vm5 =	vge.f32 v62, v6;
	v9 =	vsel vm2, $0x1, v2;
	v12 =	vadd.s32 v13, v12  }
0x63: {  	p3 =	sne.s32 s10, $0x1;
	vm4 =	vge.f32 v16, v6;
	vm2 =	vge.f32 v8, v6;
	v9 =	vadd.s32 v9, v12  }
.Ltmp3:
0x64: {  	v8 =	vsel vm3, $0x1, v2;
	vm3 =	vge.f32 v63, v6;
	v9 =	vadd.s32 v10, v9;
	(pc) =	sbr.rel @!p3 .LBB2_4-.Ltmp3, $4  }
0x65: {  	v14 =	vsel vm2, $0x1, v2;
	v10 =	vbroadcast v7, $0xB;
	v9 =	vadd.s32 v11, v9  }
0x66: {  	vm2 =	vge.f32 v15, v6;
	v8 =	vadd.s32 v8, v9;
	v9 =	vbroadcast v7, $0xC  }
0x67: {  	v11 =	vsel vm5, $0x1, v2;
	vm5 =	vge.f32 v10, v6;
	v8 =	vadd.s32 v14, v8  }
0x68: {  	s29 =	sadd.s32 $0xFFFFFFFF, s10;
	s30 =	sadd.s32 $0x10, s16;
	v8 =	vadd.s32 v11, v8;
	vm6 =	vge.f32 v9, v6;
	v9 =	vbroadcast v7, $0xD  }
.LBB2_3:
0x69: {  	p3 =	sne.s32 s29, $0x1;
	s29 =	sadd.s32 $0xFFFFFFFF, s29;
	v10 =	vbroadcast v7, $0xE;
	v11 =	vbroadcast v7, $0xF;
	v7 =	vld [tilespmem:s30+$0x0]  }
0x6a: {  	v12 =	vsel vm4, $0x1, v2;
	vm4 =	vge.f32 v9, v6  }
0x6b: {  	v9 =	vsel vm4, $0x1, v2;
	vm4 =	vge.f32 v10, v6;
	vm7 =	vge.f32 v11, v6  }
0x6c: {  	v10 =	vsel vm5, $0x1, v2;
	v11 =	vsel vm6, $0x1, v2;
	v13 =	vsel vm7, $0x1, v2  }
0x6d: {  	v14 =	vsel vm2, $0x1, v2;
	v15 =	vsel vm3, $0x1, v2;
	v16 =	vsel vm4, $0x1, v2  }
0x6e: {  	v8 =	vadd.s32 v14, v8;
	v17 =	vbroadcast v7, $0x0;
	v18 =	vbroadcast v7, $0x3  }
0x6f: {  	v8 =	vadd.s32 v15, v8;
	v14 =	vbroadcast v7, $0x2;
	v19 =	vbroadcast v7, $0x4  }
0x70: {  	v8 =	vadd.s32 v12, v8;
	v15 =	vbroadcast v7, $0x5;
	vm2 =	vge.f32 v17, v6  }
0x71: {  	v8 =	vadd.s32 v10, v8;
	v17 =	vbroadcast v7, $0x1;
	v12 =	vsel vm2, $0x1, v2  }
0x72: {  	v8 =	vadd.s32 v11, v8;
	vm3 =	vge.f32 v15, v6;
	vm2 =	vge.f32 v14, v6  }
0x73: {  	v11 =	vbroadcast v7, $0x6;
	v10 =	vsel vm2, $0x1, v2;
	vm2 =	vge.f32 v18, v6  }
0x74: {  	v8 =	vadd.s32 v9, v8;
	v14 =	vsel vm2, $0x1, v2;
	vm2 =	vge.f32 v19, v6  }
0x75: {  	v8 =	vadd.s32 v16, v8;
	v9 =	vsel vm2, $0x1, v2;
	vm2 =	vge.f32 v11, v6  }
0x76: {  	v8 =	vadd.s32 v13, v8;
	vm4 =	vge.f32 v17, v6;
	v11 =	vsel vm3, $0x1, v2  }
0x77: {  	v8 =	vadd.s32 v12, v8;
	v12 =	vsel vm4, $0x1, v2;
	v13 =	vsel vm2, $0x1, v2  }
0x78: {  	v15 =	vbroadcast v7, $0x8;
	v8 =	vadd.s32 v12, v8;
	v12 =	vbroadcast v7, $0x7  }
0x79: {  	v16 =	vbroadcast v7, $0xA;
	v8 =	vadd.s32 v10, v8;
	v10 =	vbroadcast v7, $0x9  }
.Ltmp4:
0x7a: {  	vm2 =	vge.f32 v15, v6;
	v8 =	vadd.s32 v14, v8;
	vm5 =	vge.f32 v12, v6;
	(pc) =	sbr.rel @p3 .LBB2_3-.Ltmp4, $4  }
0x7b: {  	v8 =	vadd.s32 v9, v8;
	vm3 =	vge.f32 v10, v6;
	v9 =	vbroadcast v7, $0xB  }
0x7c: {  	vm4 =	vge.f32 v16, v6;
	v10 =	vbroadcast v7, $0xC;
	v8 =	vadd.s32 v11, v8  }
0x7d: {  	v11 =	vsel vm5, $0x1, v2;
	v8 =	vadd.s32 v13, v8;
	vm5 =	vge.f32 v9, v6  }
0x7e: {  	s30 =	sadd.s32 $0x10, s30;
	vm6 =	vge.f32 v10, v6;
	v9 =	vbroadcast v7, $0xD;
	v8 =	vadd.s32 v11, v8  }
.LBB2_4:
0x7f: {  	v10 =	vsel vm2, $0x1, v2  }
0x80: {  	v11 =	vsel vm3, $0x1, v2;
	v8 =	vadd.s32 v10, v8  }
0x81: {  	v59 =	vbroadcast v7, $0xE;
	v12 =	vsel vm4, $0x1, v2;
	v8 =	vadd.s32 v11, v8  }
0x82: {  	v7 =	vbroadcast v7, $0xF;
	v60 =	vsel vm5, $0x1, v2;
	v8 =	vadd.s32 v12, v8  }
0x83: {  	v61 =	vsel vm6, $0x1, v2;
	vm2 =	vge.f32 v9, v6;
	v8 =	vadd.s32 v60, v8  }
0x84: {  	v62 =	vsel vm2, $0x1, v2;
	vm2 =	vge.f32 v59, v6;
	v8 =	vadd.s32 v61, v8  }
0x85: {  	vm3 =	vge.f32 v7, v6;
	v7 =	vsel vm2, $0x1, v2;
	v8 =	vadd.s32 v62, v8  }
0x86: {  	v63 =	vsel vm3, $0x1, v2;
	v7 =	vadd.s32 v7, v8  }
0x87: {  	v7 =	vadd.s32 v63, v7  }
.LBB2_5:
0x88: {  	_ = 	snop  }
0x89: {  	v8 =	vbroadcast v6, $0x0;
	v9 =	vbroadcast v6, $0x1  }
0x8a: {  	vm14 =	vcmask $0x3F14;
	v17 =	vbroadcast v6, $0xA;
	v18 =	vbroadcast v6, $0xF  }
0x8b: {  	vm6 =	vcmask $0x3F18;
	v60 =	vbroadcast v6, $0xB;
	v63 =	vbroadcast v6, $0xE  }
0x8c: {  	vm2 =	veq.f32 v8, v6;
	vm3 =	vgt.f32 v8, v6;
	vm4 =	veq.f32 v9, v6  }
0x8d: {  	vm5 =	vgt.f32 v9, v6;
	v9 =	vbroadcast v6, $0x3;
	vm2 =	vmand vm2, vm8  }
0x8e: {  	v8 =	vbroadcast v6, $0x2;
	vm4 =	vmand vm4, vm9;
	vm2 =	vmor vm3, vm2  }
0x8f: {  	vm3 =	vmor vm5, vm4;
	vm12 =	veq.f32 v9, v6;
	vm13 =	vgt.f32 v9, v6  }
0x90: {  	v9 =	vbroadcast v6, $0x5;
	v10 =	vsel vm2, $0x1, v2;
	v11 =	vsel vm3, $0x1, v2  }
0x91: {  	vm2 =	veq.f32 v8, v6;
	vm3 =	vgt.f32 v8, v6;
	vm4 =	vmand vm12, vm11  }
0x92: {  	v8 =	vbroadcast v6, $0x4;
	vm2 =	vmand vm2, vm10;
	vm15 =	veq.f32 v9, v6  }
0x93: {  	vm12 =	vgt.f32 v9, v6;
	v9 =	vbroadcast v6, $0x7;
	vm2 =	vmor vm3, vm2  }
0x94: {  	vm3 =	vmor vm13, vm4;
	vm4 =	vmand vm15, vm6;
	vm6 =	vcmask $0x3F20  }
0x95: {  	v12 =	vsel vm2, $0x1, v2;
	v13 =	vsel vm3, $0x1, v2;
	vm2 =	veq.f32 v8, v6  }
0x96: {  	vm3 =	vgt.f32 v8, v6;
	v8 =	vbroadcast v6, $0x6;
	vm13 =	veq.f32 v9, v6  }
0x97: {  	vm15 =	vgt.f32 v9, v6;
	vm2 =	vmand vm2, vm14;
	vm14 =	vcmask $0x3F1C  }
0x98: {  	vm2 =	vmor vm3, vm2;
	vm3 =	vmor vm12, vm4;
	vm4 =	vmand vm13, vm6  }
0x99: {  	v14 =	vsel vm2, $0x1, v2;
	v15 =	vsel vm3, $0x1, v2;
	vm3 =	veq.f32 v8, v6  }
0x9a: {  	vm2 =	vgt.f32 v8, v6;
	v8 =	vbroadcast v6, $0x8;
	vm3 =	vmand vm3, vm14  }
0x9b: {  	vm6 =	vcmask $0x3F24;
	vm14 =	vcmask $0x3F28;
	vm2 =	vmor vm2, vm3  }
0x9c: {  	vm3 =	vmor vm15, vm4;
	vm12 =	veq.f32 v8, v6;
	vm13 =	vgt.f32 v8, v6  }
0x9d: {  	v8 =	vbroadcast v6, $0x9;
	vm15 =	vgt.f32 v18, v6;
	vm4 =	vmand vm12, vm6  }
0x9e: {  	v9 =	vsel vm2, $0x1, v2;
	v16 =	vsel vm3, $0x1, v2;
	vm12 =	vgt.f32 v17, v6  }
0x9f: {  	vm2 =	vmor vm13, vm4;
	vm3 =	veq.f32 v8, v6;
	vm13 =	vcmask $0x3F2C  }
0xa0: {  	v19 =	vsel vm2, $0x1, v2;
	vm2 =	vgt.f32 v8, v6;
	vm3 =	vmand vm3, vm14  }
0xa1: {  	v8 =	vsel vm15, $0x1, v2;
	vm2 =	vmor vm2, vm3;
	vm3 =	veq.f32 v17, v6  }
0xa2: {  	vm14 =	vcmask $0x3F30;
	v8 =	vadd.s32 v8, v10;
	vm3 =	vmand vm3, vm13  }
0xa3: {  	v10 =	vsel vm2, $0x1, v2;
	v8 =	vadd.s32 v11, v8;
	vm2 =	veq.f32 v60, v6  }
0xa4: {  	v11 =	vbroadcast v6, $0xC;
	vm3 =	vmor vm12, vm3;
	v8 =	vadd.s32 v12, v8  }
0xa5: {  	vm2 =	vmand vm2, vm14;
	vm12 =	vcmask $0x3F34;
	v61 =	vsel vm3, $0x1, v2  }
0xa6: {  	vm3 =	vgt.f32 v60, v6;
	v8 =	vadd.s32 v13, v8;
	vm15 =	vgt.f32 v11, v6  }
0xa7: {  	vm2 =	vmor vm3, vm2;
	vm3 =	veq.f32 v11, v6;
	v8 =	vadd.s32 v14, v8  }
0xa8: {  	v11 =	vbroadcast v6, $0xD;
	vm3 =	vmand vm3, vm12;
	v8 =	vadd.s32 v15, v8  }
0xa9: {  	vm13 =	vcmask $0x3F38;
	vm3 =	vmor vm15, vm3;
	v8 =	vadd.s32 v9, v8  }
0xaa: {  	v9 =	vsel vm2, $0x1, v2;
	vm2 =	veq.f32 v11, v6;
	v8 =	vadd.s32 v16, v8  }
0xab: {  	vm15 =	vcmask $0x3F3C;
	v62 =	vsel vm3, $0x1, v2;
	v8 =	vadd.s32 v19, v8  }
0xac: {  	vm3 =	vgt.f32 v11, v6;
	vm2 =	vmand vm2, vm13;
	v8 =	vadd.s32 v10, v8  }
0xad: {  	vm2 =	vmor vm3, vm2;
	vm3 =	veq.f32 v63, v6;
	v8 =	vadd.s32 v61, v8  }
.Ltmp5:
0xae: {  	vm14 =	vgt.f32 v63, v6;
	vm3 =	vmand vm3, vm15;
	v8 =	vadd.s32 v9, v8;
	(pc) =	sbr.rel @p1 .LBB2_9-.Ltmp5, $4  }
0xaf: {  	v9 =	vsel vm2, $0x1, v2;
	vm2 =	vmor vm14, vm3;
	v8 =	vadd.s32 v62, v8  }
0xb0: {  	v10 =	vsel vm2, $0x1, v2;
	v8 =	vadd.s32 v9, v8  }
0xb1: {  	v8 =	vadd.s32 v10, v8  }
0xb2: {  	v8 =	vadd.s32 v7, v8  }
0xb3: {  	v7 =	vld [tilespmem:s12+$0x0];
	_ =	sdelay $0x4  }
0xb4: {  	v9 =	vbroadcast v7, $0x0  }
0xb5: {  	v10 =	vbroadcast v7, $0x2;
	v11 =	vbroadcast v7, $0x3  }
0xb6: {  	v12 =	vbroadcast v7, $0x4;
	v14 =	vbroadcast v7, $0x1  }
0xb7: {  	v63 =	vbroadcast v7, $0x7;
	v15 =	vbroadcast v7, $0x8  }
0xb8: {  	v16 =	vbroadcast v7, $0xA;
	vm2 =	vgt.f32 v9, v6;
	v9 =	vbroadcast v7, $0x5  }
0xb9: {  	vm4 =	vgt.f32 v11, v6;
	vm5 =	vgt.f32 v12, v6;
	v13 =	vsel vm2, $0x1, v2  }
0xba: {  	vm2 =	vgt.f32 v10, v6;
	v11 =	vsel vm4, $0x1, v2;
	v12 =	vsel vm5, $0x1, v2  }
0xbb: {  	vm4 =	vgt.f32 v14, v6;
	vm5 =	vgt.f32 v63, v6;
	vm3 =	vgt.f32 v9, v6  }
0xbc: {  	v9 =	vbroadcast v7, $0x6;
	v8 =	vadd.s32 v13, v8;
	v61 =	vsel vm4, $0x1, v2  }
0xbd: {  	v10 =	vsel vm2, $0x1, v2;
	vm4 =	vgt.f32 v16, v6;
	v8 =	vadd.s32 v61, v8  }
0xbe: {  	p3 =	sne.s32 s11, $0x1;
	vm2 =	vgt.f32 v9, v6;
	v8 =	vadd.s32 v10, v8;
	v10 =	vbroadcast v7, $0x9  }
.Ltmp6:
0xbf: {  	v9 =	vsel vm3, $0x1, v2;
	v62 =	vsel vm2, $0x1, v2;
	v8 =	vadd.s32 v11, v8;
	(pc) =	sbr.rel @!p3 .LBB2_8-.Ltmp6, $4  }
0xc0: {  	v8 =	vadd.s32 v12, v8;
	vm3 =	vgt.f32 v10, v6;
	v10 =	vbroadcast v7, $0xB  }
0xc1: {  	vm2 =	vgt.f32 v15, v6;
	v8 =	vadd.s32 v9, v8;
	v9 =	vbroadcast v7, $0xC  }
0xc2: {  	v11 =	vsel vm5, $0x1, v2;
	v8 =	vadd.s32 v62, v8;
	vm5 =	vgt.f32 v10, v6  }
0xc3: {  	s29 =	sadd.s32 $0xFFFFFFFF, s11;
	s30 =	sadd.s32 $0x10, s12;
	v8 =	vadd.s32 v11, v8;
	vm6 =	vgt.f32 v9, v6;
	v9 =	vbroadcast v7, $0xD  }
.LBB2_7:
0xc4: {  	p3 =	sne.s32 s29, $0x1;
	s29 =	sadd.s32 $0xFFFFFFFF, s29;
	v10 =	vbroadcast v7, $0xE;
	v11 =	vbroadcast v7, $0xF;
	v7 =	vld [tilespmem:s30+$0x0]  }
0xc5: {  	v12 =	vsel vm4, $0x1, v2;
	vm4 =	vgt.f32 v9, v6  }
0xc6: {  	v9 =	vsel vm4, $0x1, v2;
	vm4 =	vgt.f32 v10, v6;
	vm7 =	vgt.f32 v11, v6  }
0xc7: {  	v10 =	vsel vm5, $0x1, v2;
	v11 =	vsel vm6, $0x1, v2;
	v13 =	vsel vm7, $0x1, v2  }
0xc8: {  	v14 =	vsel vm2, $0x1, v2;
	v15 =	vsel vm3, $0x1, v2;
	v16 =	vsel vm4, $0x1, v2  }
0xc9: {  	v8 =	vadd.s32 v14, v8;
	v17 =	vbroadcast v7, $0x0;
	v18 =	vbroadcast v7, $0x3  }
0xca: {  	v8 =	vadd.s32 v15, v8;
	v14 =	vbroadcast v7, $0x2;
	v19 =	vbroadcast v7, $0x4  }
0xcb: {  	v8 =	vadd.s32 v12, v8;
	v15 =	vbroadcast v7, $0x5;
	vm2 =	vgt.f32 v17, v6  }
0xcc: {  	v8 =	vadd.s32 v10, v8;
	v17 =	vbroadcast v7, $0x1;
	v12 =	vsel vm2, $0x1, v2  }
0xcd: {  	v8 =	vadd.s32 v11, v8;
	vm3 =	vgt.f32 v15, v6;
	vm2 =	vgt.f32 v14, v6  }
0xce: {  	v11 =	vbroadcast v7, $0x6;
	v10 =	vsel vm2, $0x1, v2;
	vm2 =	vgt.f32 v18, v6  }
0xcf: {  	v8 =	vadd.s32 v9, v8;
	v14 =	vsel vm2, $0x1, v2;
	vm2 =	vgt.f32 v19, v6  }
0xd0: {  	v8 =	vadd.s32 v16, v8;
	v9 =	vsel vm2, $0x1, v2;
	vm2 =	vgt.f32 v11, v6  }
0xd1: {  	v8 =	vadd.s32 v13, v8;
	vm4 =	vgt.f32 v17, v6;
	v11 =	vsel vm3, $0x1, v2  }
0xd2: {  	v8 =	vadd.s32 v12, v8;
	v12 =	vsel vm4, $0x1, v2;
	v13 =	vsel vm2, $0x1, v2  }
0xd3: {  	v15 =	vbroadcast v7, $0x8;
	v8 =	vadd.s32 v12, v8;
	v12 =	vbroadcast v7, $0x7  }
0xd4: {  	v16 =	vbroadcast v7, $0xA;
	v8 =	vadd.s32 v10, v8;
	v10 =	vbroadcast v7, $0x9  }
.Ltmp7:
0xd5: {  	vm2 =	vgt.f32 v15, v6;
	v8 =	vadd.s32 v14, v8;
	vm5 =	vgt.f32 v12, v6;
	(pc) =	sbr.rel @p3 .LBB2_7-.Ltmp7, $4  }
0xd6: {  	v8 =	vadd.s32 v9, v8;
	vm3 =	vgt.f32 v10, v6;
	v9 =	vbroadcast v7, $0xB  }
0xd7: {  	vm4 =	vgt.f32 v16, v6;
	v10 =	vbroadcast v7, $0xC;
	v8 =	vadd.s32 v11, v8  }
0xd8: {  	v11 =	vsel vm5, $0x1, v2;
	v8 =	vadd.s32 v13, v8;
	vm5 =	vgt.f32 v9, v6  }
0xd9: {  	s30 =	sadd.s32 $0x10, s30;
	vm6 =	vgt.f32 v10, v6;
	v9 =	vbroadcast v7, $0xD;
	v8 =	vadd.s32 v11, v8  }
.LBB2_8:
0xda: {  	v10 =	vsel vm2, $0x1, v2  }
0xdb: {  	v11 =	vsel vm3, $0x1, v2;
	v8 =	vadd.s32 v10, v8  }
0xdc: {  	v12 =	vsel vm4, $0x1, v2;
	v10 =	vbroadcast v7, $0xE;
	v8 =	vadd.s32 v11, v8  }
0xdd: {  	v7 =	vbroadcast v7, $0xF;
	v11 =	vsel vm5, $0x1, v2;
	v8 =	vadd.s32 v12, v8  }
0xde: {  	vm2 =	vgt.f32 v9, v6;
	v9 =	vsel vm6, $0x1, v2;
	v8 =	vadd.s32 v11, v8  }
0xdf: {  	v11 =	vsel vm2, $0x1, v2;
	vm2 =	vgt.f32 v10, v6;
	v8 =	vadd.s32 v9, v8  }
0xe0: {  	vm3 =	vgt.f32 v7, v6;
	v6 =	vsel vm2, $0x1, v2;
	v7 =	vadd.s32 v11, v8  }
0xe1: {  	v8 =	vsel vm3, $0x1, v2;
	v6 =	vadd.s32 v6, v7  }
0xe2: {  	v8 =	vadd.s32 v8, v6  }
.LBB2_9:
0xe3: {  	v6 =	vld [tilespmem:$0x1FFF0];
	_ =	sdelay $0x4  }
0xe4: {  	vm2 =	vlt.s32 v8, $0x70;
	vm3 =	vnez.u8 v6  }
0xe5: {  	vm2 =	vmand vm3, vm2  }
0xe6: {  	v6 =	vnsel vm2, $0x0, v0  }
0xe7: {  	v7 =	vnsel vm2, $0x7F, v8;
	[tilespmem:$0x400] =	vst v6  }
0xe8: {  	s29 =	simm.s32 $0x0;
	[tilespmem:$0x480] =	vst v7  }
0xe9: {  	v7 =	vld [tilespmem:s29+$0x0];
	_ =	sdelay $0x3  }
0xea: {  	v6 =	vld [tilespmem:s8+$0x0]  }
0xeb: {  	v8 =	vbroadcast v7, $0x0  }
0xec: {  	v10 =	vbroadcast v7, $0x2;
	v11 =	vbroadcast v7, $0x3  }
0xed: {  	v12 =	vbroadcast v7, $0x4;
	v14 =	vbroadcast v7, $0x1  }
0xee: {  	v9 =	vimm.s32 $0x0;
	v63 =	vbroadcast v7, $0x7;
	v15 =	vbroadcast v7, $0x8  }
0xef: {  	v16 =	vbroadcast v7, $0xA;
	vm2 =	vge.f32 v8, v6;
	v8 =	vbroadcast v7, $0x5  }
0xf0: {  	vm4 =	vge.f32 v11, v6;
	vm5 =	vge.f32 v12, v6;
	v13 =	vsel vm2, $0x1, v2  }
0xf1: {  	vm2 =	vge.f32 v10, v6;
	v11 =	vsel vm4, $0x1, v2;
	v12 =	vsel vm5, $0x1, v2  }
0xf2: {  	vm4 =	vge.f32 v14, v6;
	vm5 =	vge.f32 v16, v6;
	vm3 =	vge.f32 v8, v6  }
0xf3: {  	v8 =	vbroadcast v7, $0x6;
	v9 =	vadd.s32 v13, v9;
	v61 =	vsel vm4, $0x1, v2  }
0xf4: {  	v10 =	vsel vm2, $0x1, v2;
	vm4 =	vge.f32 v63, v6;
	v9 =	vadd.s32 v61, v9  }
0xf5: {  	p3 =	sne.s32 s13, $0x1;
	vm2 =	vge.f32 v8, v6;
	v9 =	vadd.s32 v10, v9;
	v10 =	vbroadcast v7, $0x9  }
.Ltmp8:
0xf6: {  	v8 =	vsel vm3, $0x1, v2;
	v62 =	vsel vm2, $0x1, v2;
	v9 =	vadd.s32 v11, v9;
	(pc) =	sbr.rel @!p3 .LBB2_11-.Ltmp8, $4  }
0xf7: {  	v9 =	vadd.s32 v12, v9;
	vm3 =	vge.f32 v10, v6;
	v10 =	vbroadcast v7, $0xB  }
0xf8: {  	vm2 =	vge.f32 v15, v6;
	v8 =	vadd.s32 v8, v9;
	v9 =	vbroadcast v7, $0xC  }
0xf9: {  	v11 =	vsel vm4, $0x1, v2;
	v8 =	vadd.s32 v62, v8;
	vm4 =	vge.f32 v10, v6  }
0xfa: {  	s30 =	simm.s32 $0x10;
	s29 =	sadd.s32 $0xFFFFFFFF, s13;
	v8 =	vadd.s32 v11, v8;
	vm6 =	vge.f32 v9, v6;
	v9 =	vbroadcast v7, $0xD  }
.LBB2_10:
0xfb: {  	p3 =	sne.s32 s29, $0x1;
	s29 =	sadd.s32 $0xFFFFFFFF, s29;
	v10 =	vbroadcast v7, $0xE;
	v11 =	vbroadcast v7, $0xF;
	v7 =	vld [tilespmem:s30+$0x0]  }
0xfc: {  	v12 =	vsel vm5, $0x1, v2;
	vm5 =	vge.f32 v9, v6  }
0xfd: {  	v9 =	vsel vm5, $0x1, v2;
	vm5 =	vge.f32 v10, v6;
	vm7 =	vge.f32 v11, v6  }
0xfe: {  	v10 =	vsel vm4, $0x1, v2;
	v11 =	vsel vm6, $0x1, v2;
	v13 =	vsel vm7, $0x1, v2  }
0xff: {  	v14 =	vsel vm2, $0x1, v2;
	v15 =	vsel vm3, $0x1, v2;
	v16 =	vsel vm5, $0x1, v2  }
0x100: {  	v8 =	vadd.s32 v14, v8;
	v17 =	vbroadcast v7, $0x0;
	v18 =	vbroadcast v7, $0x3  }
0x101: {  	v8 =	vadd.s32 v15, v8;
	v14 =	vbroadcast v7, $0x2;
	v19 =	vbroadcast v7, $0x4  }
0x102: {  	v8 =	vadd.s32 v12, v8;
	v15 =	vbroadcast v7, $0x5;
	vm2 =	vge.f32 v17, v6  }
0x103: {  	v8 =	vadd.s32 v10, v8;
	v17 =	vbroadcast v7, $0x1;
	v12 =	vsel vm2, $0x1, v2  }
0x104: {  	v8 =	vadd.s32 v11, v8;
	vm3 =	vge.f32 v15, v6;
	vm2 =	vge.f32 v14, v6  }
0x105: {  	v11 =	vbroadcast v7, $0x6;
	v10 =	vsel vm2, $0x1, v2;
	vm2 =	vge.f32 v18, v6  }
0x106: {  	v8 =	vadd.s32 v9, v8;
	v14 =	vsel vm2, $0x1, v2;
	vm2 =	vge.f32 v19, v6  }
0x107: {  	v8 =	vadd.s32 v16, v8;
	v9 =	vsel vm2, $0x1, v2;
	vm2 =	vge.f32 v11, v6  }
0x108: {  	v8 =	vadd.s32 v13, v8;
	vm4 =	vge.f32 v17, v6;
	v11 =	vsel vm3, $0x1, v2  }
0x109: {  	v8 =	vadd.s32 v12, v8;
	v12 =	vsel vm4, $0x1, v2;
	v13 =	vsel vm2, $0x1, v2  }
0x10a: {  	v15 =	vbroadcast v7, $0x8;
	v8 =	vadd.s32 v12, v8;
	v12 =	vbroadcast v7, $0x7  }
0x10b: {  	v16 =	vbroadcast v7, $0xA;
	v8 =	vadd.s32 v10, v8;
	v10 =	vbroadcast v7, $0x9  }
.Ltmp9:
0x10c: {  	vm2 =	vge.f32 v15, v6;
	v8 =	vadd.s32 v14, v8;
	vm4 =	vge.f32 v12, v6;
	(pc) =	sbr.rel @p3 .LBB2_10-.Ltmp9, $4  }
0x10d: {  	v8 =	vadd.s32 v9, v8;
	vm3 =	vge.f32 v10, v6;
	v9 =	vbroadcast v7, $0xB  }
0x10e: {  	vm5 =	vge.f32 v16, v6;
	v10 =	vbroadcast v7, $0xC;
	v8 =	vadd.s32 v11, v8  }
0x10f: {  	v11 =	vsel vm4, $0x1, v2;
	v8 =	vadd.s32 v13, v8;
	vm4 =	vge.f32 v9, v6  }
0x110: {  	s30 =	sadd.s32 $0x10, s30;
	vm6 =	vge.f32 v10, v6;
	v9 =	vbroadcast v7, $0xD;
	v8 =	vadd.s32 v11, v8  }
.LBB2_11:
0x111: {  	v10 =	vbroadcast v7, $0xE  }
0x112: {  	v7 =	vbroadcast v7, $0xF;
	v11 =	vsel vm5, $0x1, v2;
	v12 =	vbroadcast v6, $0x0  }
0x113: {  	v14 =	vsel vm2, $0x1, v2;
	v15 =	vbroadcast v6, $0x1;
	v45 =	vbroadcast v6, $0x2  }
0x114: {  	v16 =	vsel vm3, $0x1, v2;
	v46 =	vbroadcast v6, $0x3;
	v47 =	vbroadcast v6, $0x4  }
0x115: {  	vm12 =	vmmov vm8;
	v48 =	vbroadcast v6, $0x5;
	v22 =	vbroadcast v6, $0x6  }
0x116: {  	vm13 =	vmmov vm9;
	v50 =	vbroadcast v6, $0x7;
	v51 =	vbroadcast v6, $0x8  }
0x117: {  	vm14 =	vmmov vm10;
	v52 =	vbroadcast v6, $0x9;
	v53 =	vbroadcast v6, $0xA  }
0x118: {  	vm15 =	vmmov vm11;
	v54 =	vbroadcast v6, $0xB;
	v55 =	vbroadcast v6, $0xF  }
0x119: {  	v56 =	vbroadcast v6, $0xC;
	vm5 =	vge.f32 v9, v6;
	v8 =	vadd.s32 v14, v8  }
0x11a: {  	v9 =	vsel vm5, $0x1, v2;
	vm5 =	vge.f32 v10, v6;
	vm7 =	vge.f32 v7, v6  }
0x11b: {  	v7 =	vsel vm4, $0x1, v2;
	v10 =	vsel vm6, $0x1, v2;
	vm2 =	veq.f32 v12, v6  }
0x11c: {  	vm3 =	vgt.f32 v12, v6;
	vm4 =	veq.f32 v15, v6;
	vm6 =	vgt.f32 v51, v6  }
0x11d: {  	v8 =	vadd.s32 v16, v8;
	v13 =	vsel vm7, $0x1, v2;
	v17 =	vsel vm5, $0x1, v2  }
0x11e: {  	vm2 =	vmand vm2, vm8;
	vm8 =	vgt.f32 v15, v6;
	vm4 =	vmand vm4, vm9  }
0x11f: {  	vm9 =	veq.f32 v46, v6;
	vm7 =	veq.f32 v52, v6;
	v8 =	vadd.s32 v11, v8  }
0x120: {  	vm2 =	vmor vm3, vm2;
	vm3 =	vmor vm8, vm4;
	vm8 =	vgt.f32 v46, v6  }
0x121: {  	vm4 =	vmand vm9, vm11;
	vm9 =	veq.f32 v47, v6;
	vm11 =	vcmask $0x3F14  }
0x122: {  	v7 =	vadd.s32 v7, v8;
	v8 =	vbroadcast v6, $0xD;
	v18 =	vsel vm2, $0x1, v2  }
0x123: {  	v19 =	vsel vm3, $0x1, v2;
	vm2 =	vgt.f32 v45, v6;
	vm3 =	veq.f32 v45, v6  }
0x124: {  	v7 =	vadd.s32 v10, v7;
	vm3 =	vmand vm3, vm10;
	vm10 =	vgt.f32 v47, v6  }
0x125: {  	vm2 =	vmor vm2, vm3;
	vm3 =	vmor vm8, vm4;
	vm4 =	vmand vm9, vm11  }
0x126: {  	vm8 =	vcmask $0x3F18;
	vm9 =	veq.f32 v22, v6;
	vm11 =	veq.f32 v50, v6  }
0x127: {  	v49 =	vsel vm2, $0x1, v2;
	v20 =	vsel vm3, $0x1, v2;
	vm2 =	vmor vm10, vm4  }
0x128: {  	vm3 =	vgt.f32 v48, v6;
	vm10 =	vcmask $0x3F1C;
	v21 =	vsel vm2, $0x1, v2  }
0x129: {  	vm2 =	veq.f32 v48, v6;
	vm4 =	vmand vm9, vm10;
	vm10 =	vcmask $0x3F20  }
0x12a: {  	vm9 =	vgt.f32 v50, v6;
	vm2 =	vmand vm2, vm8;
	vm5 =	vmand vm11, vm10  }
0x12b: {  	vm11 =	veq.f32 v51, v6;
	vm2 =	vmor vm3, vm2;
	vm3 =	vgt.f32 v22, v6  }
0x12c: {  	vm8 =	vgt.f32 v52, v6;
	vm10 =	veq.f32 v54, v6;
	vm3 =	vmor vm3, vm4  }
0x12d: {  	vm4 =	vmor vm9, vm5;
	vm9 =	vcmask $0x3F24;
	v23 =	vsel vm2, $0x1, v2  }
0x12e: {  	vm2 =	veq.f32 v56, v6;
	vm5 =	vmand vm11, vm9;
	vm9 =	vcmask $0x3F28  }
0x12f: {  	vm11 =	vcmask $0x3F30;
	v57 =	vsel vm3, $0x1, v2;
	vm3 =	vgt.f32 v56, v6  }
0x130: {  	v58 =	vsel vm4, $0x1, v2;
	vm7 =	vmand vm7, vm9;
	vm5 =	vmor vm6, vm5  }
0x131: {  	vm9 =	vcmask $0x3F2C;
	vm10 =	vmand vm10, vm11;
	vm11 =	vgt.f32 v55, v6  }
0x132: {  	vm6 =	vmor vm8, vm7;
	vm7 =	vgt.f32 v53, v6;
	v12 =	vsel vm11, $0x1, v2  }
0x133: {  	vm8 =	veq.f32 v53, v6;
	v59 =	vsel vm5, $0x1, v2;
	v12 =	vadd.s32 v12, v18  }
0x134: {  	vm11 =	vcmask $0x3F3C;
	vm8 =	vmand vm8, vm9;
	v12 =	vadd.s32 v19, v12  }
0x135: {  	vm9 =	vgt.f32 v54, v6;
	v60 =	vsel vm6, $0x1, v2;
	v12 =	vadd.s32 v49, v12  }
0x136: {  	vm7 =	vmor vm7, vm8;
	vm8 =	vmor vm9, vm10;
	v12 =	vadd.s32 v20, v12  }
0x137: {  	vm9 =	vcmask $0x3F34;
	vm10 =	vcmask $0x3F38;
	v11 =	vadd.s32 v21, v12  }
0x138: {  	vm2 =	vmand vm2, vm9;
	v61 =	vsel vm7, $0x1, v2;
	v11 =	vadd.s32 v23, v11  }
0x139: {  	vm2 =	vmor vm3, vm2;
	vm3 =	veq.f32 v8, v6;
	v11 =	vadd.s32 v57, v11  }
0x13a: {  	v63 =	vsel vm2, $0x1, v2;
	vm2 =	vgt.f32 v8, v6;
	v8 =	vadd.s32 v58, v11  }
0x13b: {  	vm3 =	vmand vm3, vm10;
	v11 =	vbroadcast v6, $0xE;
	v8 =	vadd.s32 v59, v8  }
0x13c: {  	v62 =	vsel vm8, $0x1, v2;
	vm2 =	vmor vm2, vm3;
	v8 =	vadd.s32 v60, v8  }
0x13d: {  	v10 =	vsel vm2, $0x1, v2;
	vm2 =	veq.f32 v11, v6;
	v8 =	vadd.s32 v61, v8  }
.Ltmp10:
0x13e: {  	vm3 =	vgt.f32 v11, v6;
	vm2 =	vmand vm2, vm11;
	v8 =	vadd.s32 v62, v8;
	(pc) =	sbr.rel @p2 .LBB2_12-.Ltmp10, $4  }
0x13f: {  	v7 =	vadd.s32 v9, v7;
	vm2 =	vmor vm3, vm2;
	v8 =	vadd.s32 v63, v8  }
0x140: {  	v7 =	vadd.s32 v17, v7;
	v9 =	vsel vm2, $0x1, v2;
	v8 =	vadd.s32 v10, v8  }
0x141: {  	v7 =	vadd.s32 v13, v7;
	v8 =	vadd.s32 v9, v8  }
0x142: {  	v8 =	vadd.s32 v7, v8  }
0x143: {  	v7 =	vld [tilespmem:s15+$0x0];
	_ =	sdelay $0x4  }
0x144: {  	v9 =	vbroadcast v7, $0x0  }
0x145: {  	v10 =	vbroadcast v7, $0x2;
	v11 =	vbroadcast v7, $0x3  }
0x146: {  	v12 =	vbroadcast v7, $0x4;
	v14 =	vbroadcast v7, $0x1  }
0x147: {  	v63 =	vbroadcast v7, $0x7;
	v15 =	vbroadcast v7, $0x8  }
0x148: {  	v16 =	vbroadcast v7, $0xA;
	vm2 =	vgt.f32 v9, v6;
	v9 =	vbroadcast v7, $0x5  }
0x149: {  	vm4 =	vgt.f32 v11, v6;
	vm5 =	vgt.f32 v12, v6;
	v13 =	vsel vm2, $0x1, v2  }
0x14a: {  	vm2 =	vgt.f32 v10, v6;
	v11 =	vsel vm4, $0x1, v2;
	v12 =	vsel vm5, $0x1, v2  }
0x14b: {  	vm4 =	vgt.f32 v14, v6;
	vm5 =	vgt.f32 v63, v6;
	vm3 =	vgt.f32 v9, v6  }
0x14c: {  	v9 =	vbroadcast v7, $0x6;
	v8 =	vadd.s32 v13, v8;
	v61 =	vsel vm4, $0x1, v2  }
0x14d: {  	v10 =	vsel vm2, $0x1, v2;
	vm4 =	vgt.f32 v16, v6;
	v8 =	vadd.s32 v61, v8  }
0x14e: {  	p3 =	sne.s32 s14, $0x1;
	vm2 =	vgt.f32 v9, v6;
	v8 =	vadd.s32 v10, v8;
	v10 =	vbroadcast v7, $0x9  }
.Ltmp11:
0x14f: {  	v9 =	vsel vm3, $0x1, v2;
	v62 =	vsel vm2, $0x1, v2;
	v8 =	vadd.s32 v11, v8;
	(pc) =	sbr.rel @!p3 .LBB2_15-.Ltmp11, $4  }
0x150: {  	v8 =	vadd.s32 v12, v8;
	vm3 =	vgt.f32 v10, v6;
	v10 =	vbroadcast v7, $0xB  }
0x151: {  	vm2 =	vgt.f32 v15, v6;
	v8 =	vadd.s32 v9, v8;
	v9 =	vbroadcast v7, $0xC  }
0x152: {  	v11 =	vsel vm5, $0x1, v2;
	v8 =	vadd.s32 v62, v8;
	vm5 =	vgt.f32 v10, v6  }
0x153: {  	s29 =	sadd.s32 $0xFFFFFFFF, s14;
	s30 =	sadd.s32 $0x10, s15;
	v8 =	vadd.s32 v11, v8;
	vm6 =	vgt.f32 v9, v6;
	v9 =	vbroadcast v7, $0xD  }
.LBB2_14:
0x154: {  	p3 =	sne.s32 s29, $0x1;
	s29 =	sadd.s32 $0xFFFFFFFF, s29;
	v10 =	vbroadcast v7, $0xE;
	v11 =	vbroadcast v7, $0xF;
	v7 =	vld [tilespmem:s30+$0x0]  }
0x155: {  	v12 =	vsel vm4, $0x1, v2;
	vm4 =	vgt.f32 v9, v6  }
0x156: {  	v9 =	vsel vm4, $0x1, v2;
	vm4 =	vgt.f32 v10, v6;
	vm7 =	vgt.f32 v11, v6  }
0x157: {  	v10 =	vsel vm5, $0x1, v2;
	v11 =	vsel vm6, $0x1, v2;
	v13 =	vsel vm7, $0x1, v2  }
0x158: {  	v14 =	vsel vm2, $0x1, v2;
	v15 =	vsel vm3, $0x1, v2;
	v16 =	vsel vm4, $0x1, v2  }
0x159: {  	v8 =	vadd.s32 v14, v8;
	v17 =	vbroadcast v7, $0x0;
	v18 =	vbroadcast v7, $0x3  }
0x15a: {  	v8 =	vadd.s32 v15, v8;
	v14 =	vbroadcast v7, $0x2;
	v19 =	vbroadcast v7, $0x4  }
0x15b: {  	v8 =	vadd.s32 v12, v8;
	v15 =	vbroadcast v7, $0x5;
	vm2 =	vgt.f32 v17, v6  }
0x15c: {  	v8 =	vadd.s32 v10, v8;
	v17 =	vbroadcast v7, $0x1;
	v12 =	vsel vm2, $0x1, v2  }
0x15d: {  	v8 =	vadd.s32 v11, v8;
	vm3 =	vgt.f32 v15, v6;
	vm2 =	vgt.f32 v14, v6  }
0x15e: {  	v11 =	vbroadcast v7, $0x6;
	v10 =	vsel vm2, $0x1, v2;
	vm2 =	vgt.f32 v18, v6  }
0x15f: {  	v8 =	vadd.s32 v9, v8;
	v14 =	vsel vm2, $0x1, v2;
	vm2 =	vgt.f32 v19, v6  }
0x160: {  	v8 =	vadd.s32 v16, v8;
	v9 =	vsel vm2, $0x1, v2;
	vm2 =	vgt.f32 v11, v6  }
0x161: {  	v8 =	vadd.s32 v13, v8;
	vm4 =	vgt.f32 v17, v6;
	v11 =	vsel vm3, $0x1, v2  }
0x162: {  	v8 =	vadd.s32 v12, v8;
	v12 =	vsel vm4, $0x1, v2;
	v13 =	vsel vm2, $0x1, v2  }
0x163: {  	v15 =	vbroadcast v7, $0x8;
	v8 =	vadd.s32 v12, v8;
	v12 =	vbroadcast v7, $0x7  }
0x164: {  	v16 =	vbroadcast v7, $0xA;
	v8 =	vadd.s32 v10, v8;
	v10 =	vbroadcast v7, $0x9  }
.Ltmp12:
0x165: {  	vm2 =	vgt.f32 v15, v6;
	v8 =	vadd.s32 v14, v8;
	vm5 =	vgt.f32 v12, v6;
	(pc) =	sbr.rel @p3 .LBB2_14-.Ltmp12, $4  }
0x166: {  	v8 =	vadd.s32 v9, v8;
	vm3 =	vgt.f32 v10, v6;
	v9 =	vbroadcast v7, $0xB  }
0x167: {  	vm4 =	vgt.f32 v16, v6;
	v10 =	vbroadcast v7, $0xC;
	v8 =	vadd.s32 v11, v8  }
0x168: {  	v11 =	vsel vm5, $0x1, v2;
	v8 =	vadd.s32 v13, v8;
	vm5 =	vgt.f32 v9, v6  }
0x169: {  	s30 =	sadd.s32 $0x10, s30;
	vm6 =	vgt.f32 v10, v6;
	v9 =	vbroadcast v7, $0xD;
	v8 =	vadd.s32 v11, v8  }
.LBB2_15:
0x16a: {  	v10 =	vsel vm2, $0x1, v2  }
0x16b: {  	v11 =	vsel vm3, $0x1, v2;
	v12 =	vsel vm4, $0x1, v2;
	v8 =	vadd.s32 v10, v8  }
0x16c: {  	vm8 =	vmmov vm12;
	v10 =	vbroadcast v7, $0xE;
	v8 =	vadd.s32 v11, v8  }
0x16d: {  	v7 =	vbroadcast v7, $0xF;
	v11 =	vsel vm5, $0x1, v2;
	v8 =	vadd.s32 v12, v8  }
.Ltmp13:
0x16e: {  	vm2 =	vgt.f32 v9, v6;
	v9 =	vsel vm6, $0x1, v2;
	v8 =	vadd.s32 v11, v8;
	(pc) =	sbr.rel .LBB2_16-.Ltmp13, $4  }
0x16f: {  	v11 =	vsel vm2, $0x1, v2;
	vm2 =	vgt.f32 v10, v6;
	v8 =	vadd.s32 v9, v8  }
0x170: {  	vm3 =	vgt.f32 v7, v6;
	v6 =	vsel vm2, $0x1, v2;
	v7 =	vadd.s32 v11, v8  }
0x171: {  	vm9 =	vmmov vm13;
	v8 =	vsel vm3, $0x1, v2;
	v6 =	vadd.s32 v6, v7  }
0x172: {  	vm10 =	vmmov vm14;
	vm11 =	vmmov vm15;
	v8 =	vadd.s32 v8, v6  }
.LBB2_17:
0x173: {  	_ =	sfence.sel $0x180000  }
0x174: {  	[bflag:$0x0] =	sbarrier.arrive $0xFFFF  }
0x175: {  	p0 =	sne.s32 s2, $0x0;
	_ =	strace $0x90000047  }
0x176: {  	s0 =	sadd.s32 @!p0 $0x100000, s0;
	[bflag:$0x2] =	sbarrier.arrive $0xFFFF  }
0x177: {  	[sflag:s0] =	ssyncadd.tile.s32 @!p0 $0x1;
	_ =	shalt  }
.Lfunc_end2:
_tile_overlayer_lowered:
.L_overlay_start_2:
0x178: {  	(tag) =	ssettag $0x2  }
0x179: {  	s0 =	rddreg [dreg:$0x0];
	s2 =	stileid.u32  }
0x17a: {  	s1 =	rddreg [dreg:$0x1];
	p0 =	sne.s32 s2, $0x0  }
0x17b: {  	s3 =	rddreg [dreg:$0x2];
	[bflag:$0x3] =	sbarrier.arrive $0xFFFF;
	s2 =	simm.s32 @!p0 $0x1C02  }
0x17c: {  	[timem:s3], [sflag:s2] =	dma.local @!p0 [hbm:s0], s1  }
0x17d: {  	s0 =	simm.s32 @!p0 $0x2  }
0x17e: {  	_ =	swait.ge @!p0 [sflag:s0], s1  }
0x17f: {  	s1 =	ssub.s32 @!p0 $0x0, s1;
	[sflag:s0] =	ssyncset.done @!p0 $0x0  }
0x180: {  	[sflag:s0] =	ssyncadd.s32 @!p0 s1  }
0x181: {  	[bflag:$0x3] =	sbarrier.arrive $0xFFFF  }
0x182: {  	_ =	shalt  }

</sc_bundles>
